<compile_context>
chip_gen: v7x
topology: tpu7x:2x2x1
jax: 0.10.2.dev20260603
libtpu: 0.0.44.dev20260713+nightly
codegen_flags: <defaults>
</compile_context>

<pallas_src>
import functools

import jax
import jax.numpy as jnp
from jax import lax
from jax.experimental import pallas as pl
from jax.experimental.pallas import tpu as pltpu
from jax.experimental.pallas import tpu_sc as plsc

_ENT_NUM = 1000000
_REL_NUM = 1000
_DIM = 64
_MARGIN = 1.0
_C = 1.0
_EPS = 0.001
_PD_EPS = 1e-6

_NC = 2
_NS = 16
_NW = _NC * _NS
_B = 32768
_BPW = _B // _NW
_CH = 128
_NCH = _BPW // _CH
_LN = 16


def _sc_scores(heads, rels, tails, w_ent, w_rel, w_hyp):
    mesh = plsc.VectorSubcoreMesh(core_axis_name="c", subcore_axis_name="s")

    @functools.partial(
        pl.kernel,
        mesh=mesh,
        compiler_params=pltpu.CompilerParams(
            use_tc_tiling_on_sc=False, needs_layout_passes=False),
        out_type=jax.ShapeDtypeStruct((_B,), jnp.float32),
        scratch_types=[
            pltpu.VMEM((_BPW,), jnp.int32),
            pltpu.VMEM((_BPW,), jnp.int32),
            pltpu.VMEM((_BPW,), jnp.int32),
            pltpu.VMEM((_CH, _DIM), jnp.float32),
            pltpu.VMEM((_CH, _DIM), jnp.float32),
            pltpu.VMEM((_CH, _DIM), jnp.float32),
            pltpu.VMEM((_CH, _DIM), jnp.float32),
            pltpu.VMEM((_BPW,), jnp.float32),
            pltpu.SemaphoreType.DMA,
        ],
    )
    def body(heads_hbm, rels_hbm, tails_hbm, ent_hbm, rel_hbm, hyp_hbm,
             out_hbm, hv, rv, tv, hbuf, tbuf, rbuf, wbuf, sqv, sem):
        wid = lax.axis_index("s") * _NC + lax.axis_index("c")
        base = wid * _BPW
        pltpu.sync_copy(heads_hbm.at[pl.ds(base, _BPW)], hv)
        pltpu.sync_copy(rels_hbm.at[pl.ds(base, _BPW)], rv)
        pltpu.sync_copy(tails_hbm.at[pl.ds(base, _BPW)], tv)

        for c in range(_NCH):
            cp1 = pltpu.async_copy(ent_hbm.at[hv.at[pl.ds(c * _CH, _CH)]],
                                   hbuf, sem)
            cp2 = pltpu.async_copy(ent_hbm.at[tv.at[pl.ds(c * _CH, _CH)]],
                                   tbuf, sem)
            cp3 = pltpu.async_copy(rel_hbm.at[rv.at[pl.ds(c * _CH, _CH)]],
                                   rbuf, sem)
            cp4 = pltpu.async_copy(hyp_hbm.at[rv.at[pl.ds(c * _CH, _CH)]],
                                   wbuf, sem)
            cp1.wait()
            cp2.wait()
            cp3.wait()
            cp4.wait()

            def group(g, _, c=c):
                rows = g * _LN + lax.iota(jnp.int32, _LN)
                zero = jnp.zeros((_LN,), jnp.float32)

                def dims(d, carry):
                    hw, tw, uu, uw, ww = carry
                    dcol = jnp.full((_LN,), 0, jnp.int32) + d
                    h = plsc.load_gather(hbuf, [rows, dcol])
                    t = plsc.load_gather(tbuf, [rows, dcol])
                    r = plsc.load_gather(rbuf, [rows, dcol])
                    w = plsc.load_gather(wbuf, [rows, dcol])
                    u = h + r - t + _PD_EPS
                    return (hw + h * w, tw + t * w, uu + u * u,
                            uw + u * w, ww + w * w)

                hw, tw, uu, uw, ww = lax.fori_loop(
                    0, _DIM, dims, (zero, zero, zero, zero, zero))
                s = hw - tw
                sq = uu - 2.0 * s * uw + s * s * ww
                sqv[pl.ds(c * _CH + g * _LN, _LN)] = sq
                return 0

            lax.fori_loop(0, _CH // _LN, group, 0)

        pltpu.sync_copy(sqv, out_hbm.at[pl.ds(base, _BPW)])

    return body(heads, rels, tails, w_ent, w_rel, w_hyp)


_EBLK = 8000
_EGRID = _ENT_NUM // _EBLK


def _tc_table_losses(w_ent, w_rel, w_hyp):

    def body(ent_ref, rel_ref, hyp_ref, ent_out, hyp_out, acc_ref):
        i = pl.program_id(0)

        @pl.when(i == 0)
        def _init():
            rel = rel_ref[...]
            hyp = hyp_ref[...]
            rn = jnp.sqrt(jnp.sum(rel * rel, axis=1))
            dots = jnp.sum(hyp * rel, axis=1)
            hyp_out[0, 0] = jnp.sum(jnp.maximum(dots / rn - _EPS * _EPS, 0.0))
            acc_ref[0] = 0.0

        x = ent_ref[...]
        nrm = jnp.sqrt(jnp.sum(x * x, axis=1))
        acc_ref[0] += jnp.sum(jnp.maximum(nrm - 1.0, 0.0))

        @pl.when(i == _EGRID - 1)
        def _fin():
            ent_out[0, 0] = acc_ref[0]

    ent_out, hyp_out = pl.pallas_call(
        body,
        grid=(_EGRID,),
        in_specs=[
            pl.BlockSpec((_EBLK, _DIM), lambda i: (i, 0)),
            pl.BlockSpec((_REL_NUM, _DIM), lambda i: (0, 0)),
            pl.BlockSpec((_REL_NUM, _DIM), lambda i: (0, 0)),
        ],
        out_specs=[
            pl.BlockSpec(memory_space=pltpu.SMEM),
            pl.BlockSpec(memory_space=pltpu.SMEM),
        ],
        out_shape=[
            jax.ShapeDtypeStruct((1, 1), jnp.float32),
            jax.ShapeDtypeStruct((1, 1), jnp.float32),
        ],
        scratch_shapes=[pltpu.SMEM((1,), jnp.float32)],
    )(w_ent, w_rel, w_hyp)
    return ent_out, hyp_out


def _tc_finalize(pos_sq, neg_sq, ent_sum, hyp_sum):

    def body(p_ref, n_ref, e_ref, h_ref, out_ref):
        ps = jnp.sqrt(p_ref[...])
        ns = jnp.sqrt(n_ref[...])
        margin = jnp.sum(jnp.maximum(ps - ns + _MARGIN, 0.0))
        out_ref[0, 0] = (margin / (_B // 2)
                         + _C * (e_ref[0, 0] / _ENT_NUM
                                 + h_ref[0, 0] / _REL_NUM))

    out = pl.pallas_call(
        body,
        in_specs=[
            pl.BlockSpec(memory_space=pltpu.VMEM),
            pl.BlockSpec(memory_space=pltpu.VMEM),
            pl.BlockSpec(memory_space=pltpu.SMEM),
            pl.BlockSpec(memory_space=pltpu.SMEM),
        ],
        out_specs=pl.BlockSpec(memory_space=pltpu.SMEM),
        out_shape=jax.ShapeDtypeStruct((1, 1), jnp.float32),
    )(pos_sq, neg_sq, ent_sum, hyp_sum)
    return out


def kernel(pos_x, neg_x, W_ent, W_rel, W_hyp):
    idx = jnp.concatenate([pos_x, neg_x], axis=0).astype(jnp.int32)
    heads = idx[:, 0]
    rels = idx[:, 1]
    tails = idx[:, 2]

    sq = _sc_scores(heads, rels, tails, W_ent, W_rel, W_hyp)
    ent_sum, hyp_sum = _tc_table_losses(W_ent, W_rel, W_hyp)

    half = _B // 2
    pos_sq = sq[:half].reshape(128, 128)
    neg_sq = sq[half:].reshape(128, 128)
    out = _tc_finalize(pos_sq, neg_sq, ent_sum, hyp_sum)
    return out[0, 0].astype(jnp.float32)

# --- scband reference (transcript-rebuilt; emitter-appended) ---
"""Pipeline reference for scband-trans-h-48361331753007 (READ-ONLY COPY).

The authoritative reference and input builder live on the scoring server;
editing this copy changes nothing except your own understanding.
"""

import jax, jax.numpy as jnp
import numpy as np

ENT_NUM = 1000000
REL_NUM = 1000
DIM = 64
MARGIN = 1.0
C = 1.0
EPS = 0.001
PD_EPS = 1e-6  # torch PairwiseDistance default eps


def setup_inputs(seed: int = 0) -> dict:
    key = jax.random.key(seed)
    k1, k2, k3, k4, k5 = jax.random.split(key, 5)
    pos_x = jax.random.randint(k1, (16384, 3), 0, 1000, dtype=jnp.int64) if jax.config.jax_enable_x64 else jax.random.randint(k1, (16384, 3), 0, 1000, dtype=jnp.int32)
    neg_x = jax.random.randint(k2, (16384, 3), 0, 1000, dtype=pos_x.dtype)
    W_ent = jax.random.normal(k3, (ENT_NUM, DIM), dtype=jnp.float32)
    W_rel = jax.random.normal(k4, (REL_NUM, DIM), dtype=jnp.float32)
    W_hyp = jax.random.normal(k5, (REL_NUM, DIM), dtype=jnp.float32)
    return {"pos_x": pos_x, "neg_x": neg_x, "W_ent": W_ent, "W_rel": W_rel, "W_hyp": W_hyp}


def _score_op(triple, W_ent, W_rel, W_hyp):
    head = jnp.take(W_ent, triple[:, 0], axis=0)
    rel_hyper = jnp.take(W_hyp, triple[:, 1], axis=0)
    relation = jnp.take(W_rel, triple[:, 1], axis=0)
    tail = jnp.take(W_ent, triple[:, 2], axis=0)
    head = head - rel_hyper * jnp.sum(head * rel_hyper, axis=1, keepdims=True)
    tail = tail - rel_hyper * jnp.sum(tail * rel_hyper, axis=1, keepdims=True)
    diff = head + relation - tail
    return jnp.sqrt(jnp.sum((diff + PD_EPS) ** 2, axis=1))


def reference(pos_x, neg_x, W_ent, W_rel, W_hyp):
    size = pos_x.shape[0]
    pos_score = _score_op(pos_x, W_ent, W_rel, W_hyp)
    neg_score = _score_op(neg_x, W_ent, W_rel, W_hyp)
    margin_loss = jnp.sum(jnp.maximum(pos_score - neg_score + MARGIN, 0.0))
    ent_norm = jnp.sqrt(jnp.sum(W_ent ** 2, axis=1))
    entity_loss = jnp.sum(jnp.maximum(ent_norm - 1.0, 0.0))
    rel_norm = jnp.sqrt(jnp.sum(W_rel ** 2, axis=1))
    hyper_loss = jnp.sum(jnp.maximum(jnp.sum(W_hyp * W_rel, axis=1) / rel_norm - EPS ** 2, 0.0))
    return margin_loss / size + C * (entity_loss / ENT_NUM + hyper_loss / REL_NUM)

if __name__ == "__main__":
    import jax
    _d = setup_inputs()
    print(jax.jit(kernel)(*tuple(_d.values())))

</pallas_src>

<mosaic_0001>
#map = affine_map<(d0, d1) -> (0)>
#map1 = affine_map<(d0, d1) -> (0, 0)>
module attributes {stable_mosaic.version = 14 : i64} {
  func.func @body(%arg0: i32, %arg1: i32, %arg2: memref<32768xi32, #tpu.memory_space<hbm>>, %arg3: memref<32768xi32, #tpu.memory_space<hbm>>, %arg4: memref<32768xi32, #tpu.memory_space<hbm>>, %arg5: memref<1000000x64xf32, #tpu.memory_space<hbm>>, %arg6: memref<1000x64xf32, #tpu.memory_space<hbm>>, %arg7: memref<1000x64xf32, #tpu.memory_space<hbm>>, %arg8: memref<32768xf32, #tpu.memory_space<hbm>>, %arg9: memref<1024xi32, #tpu.memory_space<vmem>>, %arg10: memref<1024xi32, #tpu.memory_space<vmem>>, %arg11: memref<1024xi32, #tpu.memory_space<vmem>>, %arg12: memref<128x64xf32, #tpu.memory_space<vmem>>, %arg13: memref<128x64xf32, #tpu.memory_space<vmem>>, %arg14: memref<128x64xf32, #tpu.memory_space<vmem>>, %arg15: memref<128x64xf32, #tpu.memory_space<vmem>>, %arg16: memref<1024xf32, #tpu.memory_space<vmem>>, %arg17: memref<!tpu.dma_semaphore, #tpu.memory_space<semaphore_mem>>) attributes {dimension_semantics = [#tpu.dimension_semantics<core_parallel>, #tpu.dimension_semantics<subcore_parallel>], iteration_bounds = array<i64: 2, 16>, scalar_prefetch = 0 : i64, scratch_operands = 9 : i64, tpu.core_type = #tpu.core_type<sc_vector_subcore>, window_params = [{transform_indices = #map}, {transform_indices = #map}, {transform_indices = #map}, {transform_indices = #map1}, {transform_indices = #map1}, {transform_indices = #map1}, {transform_indices = #map}]} {
    %mul3A = arith.constant 2 : i32
    %mul3A_0 = arith.muli %arg1, %mul3A : i32
    %add3A = arith.addi %mul3A_0, %arg0 : i32
    %mul3A_1 = arith.constant 1024 : i32
    %mul3A_2 = arith.muli %add3A, %mul3A_1 : i32
    "tpu.region"() ({
      %run_scoped3A = tpu.sem_alloc : memref<!tpu.dma_semaphore, #tpu.memory_space<semaphore_mem>>
      %dma_start3A_376 = tpu.memref_slice %arg2[%mul3A_2] : memref<32768xi32, #tpu.memory_space<hbm>> -> memref<1024xi32, #tpu.memory_space<hbm>>
      %dma_start3A_377 = tpu.memref_slice %arg2[%mul3A_2] : memref<32768xi32, #tpu.memory_space<hbm>> -> memref<1024xi32, #tpu.memory_space<hbm>>
      tpu.enqueue_dma source(%dma_start3A_377 : memref<1024xi32, #tpu.memory_space<hbm>>) target(%arg9 : memref<1024xi32, #tpu.memory_space<vmem>>) target_semaphore(%run_scoped3A : memref<!tpu.dma_semaphore, #tpu.memory_space<semaphore_mem>>)
      %dma_wait3A_378 = tpu.memref_slice %arg2[%mul3A_2] : memref<32768xi32, #tpu.memory_space<hbm>> -> memref<1024xi32, #tpu.memory_space<hbm>>
      %dma_wait3A_379 = tpu.memref_slice %arg2[%mul3A_2] : memref<32768xi32, #tpu.memory_space<hbm>> -> memref<1024xi32, #tpu.memory_space<hbm>>
      tpu.wait_dma2 semaphore(%run_scoped3A : memref<!tpu.dma_semaphore, #tpu.memory_space<semaphore_mem>>) src(%dma_wait3A_379 : memref<1024xi32, #tpu.memory_space<hbm>>) dst(%arg9 : memref<1024xi32, #tpu.memory_space<vmem>>)
      tpu.yield
    }) : () -> ()
    "tpu.region"() ({
      %run_scoped3A = tpu.sem_alloc : memref<!tpu.dma_semaphore, #tpu.memory_space<semaphore_mem>>
      %dma_start3A_376 = tpu.memref_slice %arg3[%mul3A_2] : memref<32768xi32, #tpu.memory_space<hbm>> -> memref<1024xi32, #tpu.memory_space<hbm>>
      %dma_start3A_377 = tpu.memref_slice %arg3[%mul3A_2] : memref<32768xi32, #tpu.memory_space<hbm>> -> memref<1024xi32, #tpu.memory_space<hbm>>
      tpu.enqueue_dma source(%dma_start3A_377 : memref<1024xi32, #tpu.memory_space<hbm>>) target(%arg10 : memref<1024xi32, #tpu.memory_space<vmem>>) target_semaphore(%run_scoped3A : memref<!tpu.dma_semaphore, #tpu.memory_space<semaphore_mem>>)
      %dma_wait3A_378 = tpu.memref_slice %arg3[%mul3A_2] : memref<32768xi32, #tpu.memory_space<hbm>> -> memref<1024xi32, #tpu.memory_space<hbm>>
      %dma_wait3A_379 = tpu.memref_slice %arg3[%mul3A_2] : memref<32768xi32, #tpu.memory_space<hbm>> -> memref<1024xi32, #tpu.memory_space<hbm>>
      tpu.wait_dma2 semaphore(%run_scoped3A : memref<!tpu.dma_semaphore, #tpu.memory_space<semaphore_mem>>) src(%dma_wait3A_379 : memref<1024xi32, #tpu.memory_space<hbm>>) dst(%arg10 : memref<1024xi32, #tpu.memory_space<vmem>>)
      tpu.yield
    }) : () -> ()
    "tpu.region"() ({
      %run_scoped3A = tpu.sem_alloc : memref<!tpu.dma_semaphore, #tpu.memory_space<semaphore_mem>>
      %dma_start3A_376 = tpu.memref_slice %arg4[%mul3A_2] : memref<32768xi32, #tpu.memory_space<hbm>> -> memref<1024xi32, #tpu.memory_space<hbm>>
      %dma_start3A_377 = tpu.memref_slice %arg4[%mul3A_2] : memref<32768xi32, #tpu.memory_space<hbm>> -> memref<1024xi32, #tpu.memory_space<hbm>>
      tpu.enqueue_dma source(%dma_start3A_377 : memref<1024xi32, #tpu.memory_space<hbm>>) target(%arg11 : memref<1024xi32, #tpu.memory_space<vmem>>) target_semaphore(%run_scoped3A : memref<!tpu.dma_semaphore, #tpu.memory_space<semaphore_mem>>)
      %dma_wait3A_378 = tpu.memref_slice %arg4[%mul3A_2] : memref<32768xi32, #tpu.memory_space<hbm>> -> memref<1024xi32, #tpu.memory_space<hbm>>
      %dma_wait3A_379 = tpu.memref_slice %arg4[%mul3A_2] : memref<32768xi32, #tpu.memory_space<hbm>> -> memref<1024xi32, #tpu.memory_space<hbm>>
      tpu.wait_dma2 semaphore(%run_scoped3A : memref<!tpu.dma_semaphore, #tpu.memory_space<semaphore_mem>>) src(%dma_wait3A_379 : memref<1024xi32, #tpu.memory_space<hbm>>) dst(%arg11 : memref<1024xi32, #tpu.memory_space<vmem>>)
      tpu.yield
    }) : () -> ()
    %dma_start3A = arith.constant 0 : i32
    %dma_start3A_3 = tpu.memref_slice %arg9[%dma_start3A] : memref<1024xi32, #tpu.memory_space<vmem>> -> memref<128xi32, #tpu.memory_space<vmem>>
    %dma_start3A_4 = arith.constant 0 : i32
    %dma_start3A_5 = arith.constant 0 : i32
    %dma_start3A_6 = tpu.memref_slice %arg5[%dma_start3A_4, %dma_start3A_5] : memref<1000000x64xf32, #tpu.memory_space<hbm>> -> memref<1000000x64xf32, #tpu.memory_space<hbm>>
    tpu.enqueue_indirect_dma source(%dma_start3A_6 : memref<1000000x64xf32, #tpu.memory_space<hbm>>) target(%arg12 : memref<128x64xf32, #tpu.memory_space<vmem>>) offsets(%dma_start3A_3 : memref<128xi32, #tpu.memory_space<vmem>>) semaphore(%arg17 : memref<!tpu.dma_semaphore, #tpu.memory_space<semaphore_mem>>)
    %dma_start3A_7 = arith.constant 0 : i32
    %dma_start3A_8 = tpu.memref_slice %arg11[%dma_start3A_7] : memref<1024xi32, #tpu.memory_space<vmem>> -> memref<128xi32, #tpu.memory_space<vmem>>
    %dma_start3A_9 = arith.constant 0 : i32
    %dma_start3A_10 = arith.constant 0 : i32
    %dma_start3A_11 = tpu.memref_slice %arg5[%dma_start3A_9, %dma_start3A_10] : memref<1000000x64xf32, #tpu.memory_space<hbm>> -> memref<1000000x64xf32, #tpu.memory_space<hbm>>
    tpu.enqueue_indirect_dma source(%dma_start3A_11 : memref<1000000x64xf32, #tpu.memory_space<hbm>>) target(%arg13 : memref<128x64xf32, #tpu.memory_space<vmem>>) offsets(%dma_start3A_8 : memref<128xi32, #tpu.memory_space<vmem>>) semaphore(%arg17 : memref<!tpu.dma_semaphore, #tpu.memory_space<semaphore_mem>>)
    %dma_start3A_12 = arith.constant 0 : i32
    %dma_start3A_13 = tpu.memref_slice %arg10[%dma_start3A_12] : memref<1024xi32, #tpu.memory_space<vmem>> -> memref<128xi32, #tpu.memory_space<vmem>>
    %dma_start3A_14 = arith.constant 0 : i32
    %dma_start3A_15 = arith.constant 0 : i32
    %dma_start3A_16 = tpu.memref_slice %arg6[%dma_start3A_14, %dma_start3A_15] : memref<1000x64xf32, #tpu.memory_space<hbm>> -> memref<1000x64xf32, #tpu.memory_space<hbm>>
    tpu.enqueue_indirect_dma source(%dma_start3A_16 : memref<1000x64xf32, #tpu.memory_space<hbm>>) target(%arg14 : memref<128x64xf32, #tpu.memory_space<vmem>>) offsets(%dma_start3A_13 : memref<128xi32, #tpu.memory_space<vmem>>) semaphore(%arg17 : memref<!tpu.dma_semaphore, #tpu.memory_space<semaphore_mem>>)
    %dma_start3A_17 = arith.constant 0 : i32
    %dma_start3A_18 = tpu.memref_slice %arg10[%dma_start3A_17] : memref<1024xi32, #tpu.memory_space<vmem>> -> memref<128xi32, #tpu.memory_space<vmem>>
    %dma_start3A_19 = arith.constant 0 : i32
    %dma_start3A_20 = arith.constant 0 : i32
    %dma_start3A_21 = tpu.memref_slice %arg7[%dma_start3A_19, %dma_start3A_20] : memref<1000x64xf32, #tpu.memory_space<hbm>> -> memref<1000x64xf32, #tpu.memory_space<hbm>>
    tpu.enqueue_indirect_dma source(%dma_start3A_21 : memref<1000x64xf32, #tpu.memory_space<hbm>>) target(%arg15 : memref<128x64xf32, #tpu.memory_space<vmem>>) offsets(%dma_start3A_18 : memref<128xi32, #tpu.memory_space<vmem>>) semaphore(%arg17 : memref<!tpu.dma_semaphore, #tpu.memory_space<semaphore_mem>>)
    %dma_wait3A = arith.constant 0 : i32
    %dma_wait3A_22 = tpu.memref_slice %arg9[%dma_wait3A] : memref<1024xi32, #tpu.memory_space<vmem>> -> memref<128xi32, #tpu.memory_space<vmem>>
    %dma_wait3A_23 = arith.constant 0 : i32
    %dma_wait3A_24 = arith.constant 0 : i32
    %dma_wait3A_25 = tpu.memref_slice %arg5[%dma_wait3A_23, %dma_wait3A_24] : memref<1000000x64xf32, #tpu.memory_space<hbm>> -> memref<1000000x64xf32, #tpu.memory_space<hbm>>
    tpu.wait_indirect_dma semaphore(%arg17 : memref<!tpu.dma_semaphore, #tpu.memory_space<semaphore_mem>>) src(%dma_wait3A_25 : memref<1000000x64xf32, #tpu.memory_space<hbm>>) dst(%arg12 : memref<128x64xf32, #tpu.memory_space<vmem>>)
    %dma_wait3A_26 = arith.constant 0 : i32
    %dma_wait3A_27 = tpu.memref_slice %arg11[%dma_wait3A_26] : memref<1024xi32, #tpu.memory_space<vmem>> -> memref<128xi32, #tpu.memory_space<vmem>>
    %dma_wait3A_28 = arith.constant 0 : i32
    %dma_wait3A_29 = arith.constant 0 : i32
    %dma_wait3A_30 = tpu.memref_slice %arg5[%dma_wait3A_28, %dma_wait3A_29] : memref<1000000x64xf32, #tpu.memory_space<hbm>> -> memref<1000000x64xf32, #tpu.memory_space<hbm>>
    tpu.wait_indirect_dma semaphore(%arg17 : memref<!tpu.dma_semaphore, #tpu.memory_space<semaphore_mem>>) src(%dma_wait3A_30 : memref<1000000x64xf32, #tpu.memory_space<hbm>>) dst(%arg13 : memref<128x64xf32, #tpu.memory_space<vmem>>)
    %dma_wait3A_31 = arith.constant 0 : i32
    %dma_wait3A_32 = tpu.memref_slice %arg10[%dma_wait3A_31] : memref<1024xi32, #tpu.memory_space<vmem>> -> memref<128xi32, #tpu.memory_space<vmem>>
    %dma_wait3A_33 = arith.constant 0 : i32
    %dma_wait3A_34 = arith.constant 0 : i32
    %dma_wait3A_35 = tpu.memref_slice %arg6[%dma_wait3A_33, %dma_wait3A_34] : memref<1000x64xf32, #tpu.memory_space<hbm>> -> memref<1000x64xf32, #tpu.memory_space<hbm>>
    tpu.wait_indirect_dma semaphore(%arg17 : memref<!tpu.dma_semaphore, #tpu.memory_space<semaphore_mem>>) src(%dma_wait3A_35 : memref<1000x64xf32, #tpu.memory_space<hbm>>) dst(%arg14 : memref<128x64xf32, #tpu.memory_space<vmem>>)
    %dma_wait3A_36 = arith.constant 0 : i32
    %dma_wait3A_37 = tpu.memref_slice %arg10[%dma_wait3A_36] : memref<1024xi32, #tpu.memory_space<vmem>> -> memref<128xi32, #tpu.memory_space<vmem>>
    %dma_wait3A_38 = arith.constant 0 : i32
    %dma_wait3A_39 = arith.constant 0 : i32
    %dma_wait3A_40 = tpu.memref_slice %arg7[%dma_wait3A_38, %dma_wait3A_39] : memref<1000x64xf32, #tpu.memory_space<hbm>> -> memref<1000x64xf32, #tpu.memory_space<hbm>>
    tpu.wait_indirect_dma semaphore(%arg17 : memref<!tpu.dma_semaphore, #tpu.memory_space<semaphore_mem>>) src(%dma_wait3A_40 : memref<1000x64xf32, #tpu.memory_space<hbm>>) dst(%arg15 : memref<128x64xf32, #tpu.memory_space<vmem>>)
    %scan3A = arith.constant 0 : i32
    %scan3A_41 = arith.constant 0 : i32
    %scan3A_42 = arith.constant 8 : i32
    %scan3A_43 = arith.addi %scan3A_41, %scan3A_42 : i32
    %scan3A_44 = arith.constant 1 : i32
    %scan3A_45 = scf.for %scan3A_376 = %scan3A_41 to %scan3A_43 step %scan3A_44 iter_args(%scan3A_377 = %scan3A) -> (i32)  : i32 {
      %mul3A_378 = arith.constant 16 : i32
      %mul3A_379 = arith.muli %scan3A_376, %mul3A_378 : i32
      %iota3A = tpu.iota {dimensions = array<i32: 0>} : vector<16xi32>
      %add3A_380 = vector.broadcast %mul3A_379 : i32 to vector<16xi32>
      %add3A_381 = arith.addi %add3A_380, %iota3A : vector<16xi32>
      %broadcast_in_dim3A = arith.constant 0.000000e+00 : f32
      %broadcast_in_dim3A_382 = vector.broadcast %broadcast_in_dim3A : f32 to vector<16xf32>
      %scan3A_383 = arith.constant 0 : i32
      %scan3A_384 = arith.constant 64 : i32
      %scan3A_385 = arith.addi %scan3A_383, %scan3A_384 : i32
      %scan3A_386 = arith.constant 1 : i32
      %scan3A_387:5 = scf.for %scan3A_403 = %scan3A_383 to %scan3A_385 step %scan3A_386 iter_args(%scan3A_404 = %broadcast_in_dim3A_382, %scan3A_405 = %broadcast_in_dim3A_382, %scan3A_406 = %broadcast_in_dim3A_382, %scan3A_407 = %broadcast_in_dim3A_382, %scan3A_408 = %broadcast_in_dim3A_382) -> (vector<16xf32>, vector<16xf32>, vector<16xf32>, vector<16xf32>, vector<16xf32>)  : i32 {
        %broadcast_in_dim3A_409 = arith.constant 0 : i32
        %broadcast_in_dim3A_410 = vector.broadcast %broadcast_in_dim3A_409 : i32 to vector<16xi32>
        %add3A_411 = vector.broadcast %scan3A_403 : i32 to vector<16xi32>
        %add3A_412 = arith.addi %broadcast_in_dim3A_410, %add3A_411 : vector<16xi32>
        %gather3A = tpu.vector_load_idx %arg12[%add3A_381, %add3A_412] : memref<128x64xf32, #tpu.memory_space<vmem>>[vector<16xi32>, vector<16xi32>], vector<16xf32>,
        %gather3A_413 = tpu.vector_load_idx %arg13[%add3A_381, %add3A_412] : memref<128x64xf32, #tpu.memory_space<vmem>>[vector<16xi32>, vector<16xi32>], vector<16xf32>,
        %gather3A_414 = tpu.vector_load_idx %arg14[%add3A_381, %add3A_412] : memref<128x64xf32, #tpu.memory_space<vmem>>[vector<16xi32>, vector<16xi32>], vector<16xf32>,
        %gather3A_415 = tpu.vector_load_idx %arg15[%add3A_381, %add3A_412] : memref<128x64xf32, #tpu.memory_space<vmem>>[vector<16xi32>, vector<16xi32>], vector<16xf32>,
        %add3A_416 = arith.addf %gather3A, %gather3A_414 : vector<16xf32>
        %sub3A_417 = arith.subf %add3A_416, %gather3A_413 : vector<16xf32>
        %add3A_418 = arith.constant 9.99999997E-7 : f32
        %add3A_419 = vector.broadcast %add3A_418 : f32 to vector<16xf32>
        %add3A_420 = arith.addf %sub3A_417, %add3A_419 : vector<16xf32>
        %mul3A_421 = arith.mulf %gather3A, %gather3A_415 : vector<16xf32>
        %add3A_422 = arith.addf %scan3A_404, %mul3A_421 : vector<16xf32>
        %mul3A_423 = arith.mulf %gather3A_413, %gather3A_415 : vector<16xf32>
        %add3A_424 = arith.addf %scan3A_405, %mul3A_423 : vector<16xf32>
        %mul3A_425 = arith.mulf %add3A_420, %add3A_420 : vector<16xf32>
        %add3A_426 = arith.addf %scan3A_406, %mul3A_425 : vector<16xf32>
        %mul3A_427 = arith.mulf %add3A_420, %gather3A_415 : vector<16xf32>
        %add3A_428 = arith.addf %scan3A_407, %mul3A_427 : vector<16xf32>
        %mul3A_429 = arith.mulf %gather3A_415, %gather3A_415 : vector<16xf32>
        %add3A_430 = arith.addf %scan3A_408, %mul3A_429 : vector<16xf32>
        scf.yield %add3A_422, %add3A_424, %add3A_426, %add3A_428, %add3A_430 : vector<16xf32>, vector<16xf32>, vector<16xf32>, vector<16xf32>, vector<16xf32>
      }
      %scan3A_388 = arith.constant 64 : i32
      %sub3A = arith.subf %scan3A_387#0, %scan3A_387#1 : vector<16xf32>
      %mul3A_389 = arith.constant 2.000000e+00 : f32
      %mul3A_390 = vector.broadcast %mul3A_389 : f32 to vector<16xf32>
      %mul3A_391 = arith.mulf %mul3A_390, %sub3A : vector<16xf32>
      %mul3A_392 = arith.mulf %mul3A_391, %scan3A_387#3 : vector<16xf32>
      %sub3A_393 = arith.subf %scan3A_387#2, %mul3A_392 : vector<16xf32>
      %mul3A_394 = arith.mulf %sub3A, %sub3A : vector<16xf32>
      %mul3A_395 = arith.mulf %mul3A_394, %scan3A_387#4 : vector<16xf32>
      %add3A_396 = arith.addf %sub3A_393, %mul3A_395 : vector<16xf32>
      %mul3A_397 = arith.constant 16 : i32
      %mul3A_398 = arith.muli %scan3A_376, %mul3A_397 : i32
      %add3A_399 = arith.constant 0 : i32
      %add3A_400 = arith.addi %add3A_399, %mul3A_398 : i32
      %swap3A = arith.index_cast %add3A_400 : i32 to index
      %swap3A_401 = tpu.vector_load %arg16[%swap3A] {strides = array<i32>} : memref<1024xf32, #tpu.memory_space<vmem>>, vector<16xf32>,
      tpu.vector_store %arg16[%swap3A], %add3A_396 {strides = array<i32>} : memref<1024xf32, #tpu.memory_space<vmem>>, vector<16xf32>,
      %scan3A_402 = arith.constant 0 : i32
      scf.yield %scan3A_402 : i32
    }
    %scan3A_46 = arith.constant 8 : i32
    %dma_start3A_47 = arith.constant 128 : i32
    %dma_start3A_48 = tpu.memref_slice %arg9[%dma_start3A_47] : memref<1024xi32, #tpu.memory_space<vmem>> -> memref<128xi32, #tpu.memory_space<vmem>>
    %dma_start3A_49 = arith.constant 0 : i32
    %dma_start3A_50 = arith.constant 0 : i32
    %dma_start3A_51 = tpu.memref_slice %arg5[%dma_start3A_49, %dma_start3A_50] : memref<1000000x64xf32, #tpu.memory_space<hbm>> -> memref<1000000x64xf32, #tpu.memory_space<hbm>>
    tpu.enqueue_indirect_dma source(%dma_start3A_51 : memref<1000000x64xf32, #tpu.memory_space<hbm>>) target(%arg12 : memref<128x64xf32, #tpu.memory_space<vmem>>) offsets(%dma_start3A_48 : memref<128xi32, #tpu.memory_space<vmem>>) semaphore(%arg17 : memref<!tpu.dma_semaphore, #tpu.memory_space<semaphore_mem>>)
    %dma_start3A_52 = arith.constant 128 : i32
    %dma_start3A_53 = tpu.memref_slice %arg11[%dma_start3A_52] : memref<1024xi32, #tpu.memory_space<vmem>> -> memref<128xi32, #tpu.memory_space<vmem>>
    %dma_start3A_54 = arith.constant 0 : i32
    %dma_start3A_55 = arith.constant 0 : i32
    %dma_start3A_56 = tpu.memref_slice %arg5[%dma_start3A_54, %dma_start3A_55] : memref<1000000x64xf32, #tpu.memory_space<hbm>> -> memref<1000000x64xf32, #tpu.memory_space<hbm>>
    tpu.enqueue_indirect_dma source(%dma_start3A_56 : memref<1000000x64xf32, #tpu.memory_space<hbm>>) target(%arg13 : memref<128x64xf32, #tpu.memory_space<vmem>>) offsets(%dma_start3A_53 : memref<128xi32, #tpu.memory_space<vmem>>) semaphore(%arg17 : memref<!tpu.dma_semaphore, #tpu.memory_space<semaphore_mem>>)
    %dma_start3A_57 = arith.constant 128 : i32
    %dma_start3A_58 = tpu.memref_slice %arg10[%dma_start3A_57] : memref<1024xi32, #tpu.memory_space<vmem>> -> memref<128xi32, #tpu.memory_space<vmem>>
    %dma_start3A_59 = arith.constant 0 : i32
    %dma_start3A_60 = arith.constant 0 : i32
    %dma_start3A_61 = tpu.memref_slice %arg6[%dma_start3A_59, %dma_start3A_60] : memref<1000x64xf32, #tpu.memory_space<hbm>> -> memref<1000x64xf32, #tpu.memory_space<hbm>>
    tpu.enqueue_indirect_dma source(%dma_start3A_61 : memref<1000x64xf32, #tpu.memory_space<hbm>>) target(%arg14 : memref<128x64xf32, #tpu.memory_space<vmem>>) offsets(%dma_start3A_58 : memref<128xi32, #tpu.memory_space<vmem>>) semaphore(%arg17 : memref<!tpu.dma_semaphore, #tpu.memory_space<semaphore_mem>>)
    %dma_start3A_62 = arith.constant 128 : i32
    %dma_start3A_63 = tpu.memref_slice %arg10[%dma_start3A_62] : memref<1024xi32, #tpu.memory_space<vmem>> -> memref<128xi32, #tpu.memory_space<vmem>>
    %dma_start3A_64 = arith.constant 0 : i32
    %dma_start3A_65 = arith.constant 0 : i32
    %dma_start3A_66 = tpu.memref_slice %arg7[%dma_start3A_64, %dma_start3A_65] : memref<1000x64xf32, #tpu.memory_space<hbm>> -> memref<1000x64xf32, #tpu.memory_space<hbm>>
    tpu.enqueue_indirect_dma source(%dma_start3A_66 : memref<1000x64xf32, #tpu.memory_space<hbm>>) target(%arg15 : memref<128x64xf32, #tpu.memory_space<vmem>>) offsets(%dma_start3A_63 : memref<128xi32, #tpu.memory_space<vmem>>) semaphore(%arg17 : memref<!tpu.dma_semaphore, #tpu.memory_space<semaphore_mem>>)
    %dma_wait3A_67 = arith.constant 128 : i32
    %dma_wait3A_68 = tpu.memref_slice %arg9[%dma_wait3A_67] : memref<1024xi32, #tpu.memory_space<vmem>> -> memref<128xi32, #tpu.memory_space<vmem>>
    %dma_wait3A_69 = arith.constant 0 : i32
    %dma_wait3A_70 = arith.constant 0 : i32
    %dma_wait3A_71 = tpu.memref_slice %arg5[%dma_wait3A_69, %dma_wait3A_70] : memref<1000000x64xf32, #tpu.memory_space<hbm>> -> memref<1000000x64xf32, #tpu.memory_space<hbm>>
    tpu.wait_indirect_dma semaphore(%arg17 : memref<!tpu.dma_semaphore, #tpu.memory_space<semaphore_mem>>) src(%dma_wait3A_71 : memref<1000000x64xf32, #tpu.memory_space<hbm>>) dst(%arg12 : memref<128x64xf32, #tpu.memory_space<vmem>>)
    %dma_wait3A_72 = arith.constant 128 : i32
    %dma_wait3A_73 = tpu.memref_slice %arg11[%dma_wait3A_72] : memref<1024xi32, #tpu.memory_space<vmem>> -> memref<128xi32, #tpu.memory_space<vmem>>
    %dma_wait3A_74 = arith.constant 0 : i32
    %dma_wait3A_75 = arith.constant 0 : i32
    %dma_wait3A_76 = tpu.memref_slice %arg5[%dma_wait3A_74, %dma_wait3A_75] : memref<1000000x64xf32, #tpu.memory_space<hbm>> -> memref<1000000x64xf32, #tpu.memory_space<hbm>>
    tpu.wait_indirect_dma semaphore(%arg17 : memref<!tpu.dma_semaphore, #tpu.memory_space<semaphore_mem>>) src(%dma_wait3A_76 : memref<1000000x64xf32, #tpu.memory_space<hbm>>) dst(%arg13 : memref<128x64xf32, #tpu.memory_space<vmem>>)
    %dma_wait3A_77 = arith.constant 128 : i32
    %dma_wait3A_78 = tpu.memref_slice %arg10[%dma_wait3A_77] : memref<1024xi32, #tpu.memory_space<vmem>> -> memref<128xi32, #tpu.memory_space<vmem>>
    %dma_wait3A_79 = arith.constant 0 : i32
    %dma_wait3A_80 = arith.constant 0 : i32
    %dma_wait3A_81 = tpu.memref_slice %arg6[%dma_wait3A_79, %dma_wait3A_80] : memref<1000x64xf32, #tpu.memory_space<hbm>> -> memref<1000x64xf32, #tpu.memory_space<hbm>>
    tpu.wait_indirect_dma semaphore(%arg17 : memref<!tpu.dma_semaphore, #tpu.memory_space<semaphore_mem>>) src(%dma_wait3A_81 : memref<1000x64xf32, #tpu.memory_space<hbm>>) dst(%arg14 : memref<128x64xf32, #tpu.memory_space<vmem>>)
    %dma_wait3A_82 = arith.constant 128 : i32
    %dma_wait3A_83 = tpu.memref_slice %arg10[%dma_wait3A_82] : memref<1024xi32, #tpu.memory_space<vmem>> -> memref<128xi32, #tpu.memory_space<vmem>>
    %dma_wait3A_84 = arith.constant 0 : i32
    %dma_wait3A_85 = arith.constant 0 : i32
    %dma_wait3A_86 = tpu.memref_slice %arg7[%dma_wait3A_84, %dma_wait3A_85] : memref<1000x64xf32, #tpu.memory_space<hbm>> -> memref<1000x64xf32, #tpu.memory_space<hbm>>
    tpu.wait_indirect_dma semaphore(%arg17 : memref<!tpu.dma_semaphore, #tpu.memory_space<semaphore_mem>>) src(%dma_wait3A_86 : memref<1000x64xf32, #tpu.memory_space<hbm>>) dst(%arg15 : memref<128x64xf32, #tpu.memory_space<vmem>>)
    %scan3A_87 = arith.constant 0 : i32
    %scan3A_88 = arith.constant 0 : i32
    %scan3A_89 = arith.constant 8 : i32
    %scan3A_90 = arith.addi %scan3A_88, %scan3A_89 : i32
    %scan3A_91 = arith.constant 1 : i32
    %scan3A_92 = scf.for %scan3A_376 = %scan3A_88 to %scan3A_90 step %scan3A_91 iter_args(%scan3A_377 = %scan3A_87) -> (i32)  : i32 {
      %mul3A_378 = arith.constant 16 : i32
      %mul3A_379 = arith.muli %scan3A_376, %mul3A_378 : i32
      %iota3A = tpu.iota {dimensions = array<i32: 0>} : vector<16xi32>
      %add3A_380 = vector.broadcast %mul3A_379 : i32 to vector<16xi32>
      %add3A_381 = arith.addi %add3A_380, %iota3A : vector<16xi32>
      %broadcast_in_dim3A = arith.constant 0.000000e+00 : f32
      %broadcast_in_dim3A_382 = vector.broadcast %broadcast_in_dim3A : f32 to vector<16xf32>
      %scan3A_383 = arith.constant 0 : i32
      %scan3A_384 = arith.constant 64 : i32
      %scan3A_385 = arith.addi %scan3A_383, %scan3A_384 : i32
      %scan3A_386 = arith.constant 1 : i32
      %scan3A_387:5 = scf.for %scan3A_403 = %scan3A_383 to %scan3A_385 step %scan3A_386 iter_args(%scan3A_404 = %broadcast_in_dim3A_382, %scan3A_405 = %broadcast_in_dim3A_382, %scan3A_406 = %broadcast_in_dim3A_382, %scan3A_407 = %broadcast_in_dim3A_382, %scan3A_408 = %broadcast_in_dim3A_382) -> (vector<16xf32>, vector<16xf32>, vector<16xf32>, vector<16xf32>, vector<16xf32>)  : i32 {
        %broadcast_in_dim3A_409 = arith.constant 0 : i32
        %broadcast_in_dim3A_410 = vector.broadcast %broadcast_in_dim3A_409 : i32 to vector<16xi32>
        %add3A_411 = vector.broadcast %scan3A_403 : i32 to vector<16xi32>
        %add3A_412 = arith.addi %broadcast_in_dim3A_410, %add3A_411 : vector<16xi32>
        %gather3A = tpu.vector_load_idx %arg12[%add3A_381, %add3A_412] : memref<128x64xf32, #tpu.memory_space<vmem>>[vector<16xi32>, vector<16xi32>], vector<16xf32>,
        %gather3A_413 = tpu.vector_load_idx %arg13[%add3A_381, %add3A_412] : memref<128x64xf32, #tpu.memory_space<vmem>>[vector<16xi32>, vector<16xi32>], vector<16xf32>,
        %gather3A_414 = tpu.vector_load_idx %arg14[%add3A_381, %add3A_412] : memref<128x64xf32, #tpu.memory_space<vmem>>[vector<16xi32>, vector<16xi32>], vector<16xf32>,
        %gather3A_415 = tpu.vector_load_idx %arg15[%add3A_381, %add3A_412] : memref<128x64xf32, #tpu.memory_space<vmem>>[vector<16xi32>, vector<16xi32>], vector<16xf32>,
        %add3A_416 = arith.addf %gather3A, %gather3A_414 : vector<16xf32>
        %sub3A_417 = arith.subf %add3A_416, %gather3A_413 : vector<16xf32>
        %add3A_418 = arith.constant 9.99999997E-7 : f32
        %add3A_419 = vector.broadcast %add3A_418 : f32 to vector<16xf32>
        %add3A_420 = arith.addf %sub3A_417, %add3A_419 : vector<16xf32>
        %mul3A_421 = arith.mulf %gather3A, %gather3A_415 : vector<16xf32>
        %add3A_422 = arith.addf %scan3A_404, %mul3A_421 : vector<16xf32>
        %mul3A_423 = arith.mulf %gather3A_413, %gather3A_415 : vector<16xf32>
        %add3A_424 = arith.addf %scan3A_405, %mul3A_423 : vector<16xf32>
        %mul3A_425 = arith.mulf %add3A_420, %add3A_420 : vector<16xf32>
        %add3A_426 = arith.addf %scan3A_406, %mul3A_425 : vector<16xf32>
        %mul3A_427 = arith.mulf %add3A_420, %gather3A_415 : vector<16xf32>
        %add3A_428 = arith.addf %scan3A_407, %mul3A_427 : vector<16xf32>
        %mul3A_429 = arith.mulf %gather3A_415, %gather3A_415 : vector<16xf32>
        %add3A_430 = arith.addf %scan3A_408, %mul3A_429 : vector<16xf32>
        scf.yield %add3A_422, %add3A_424, %add3A_426, %add3A_428, %add3A_430 : vector<16xf32>, vector<16xf32>, vector<16xf32>, vector<16xf32>, vector<16xf32>
      }
      %scan3A_388 = arith.constant 64 : i32
      %sub3A = arith.subf %scan3A_387#0, %scan3A_387#1 : vector<16xf32>
      %mul3A_389 = arith.constant 2.000000e+00 : f32
      %mul3A_390 = vector.broadcast %mul3A_389 : f32 to vector<16xf32>
      %mul3A_391 = arith.mulf %mul3A_390, %sub3A : vector<16xf32>
      %mul3A_392 = arith.mulf %mul3A_391, %scan3A_387#3 : vector<16xf32>
      %sub3A_393 = arith.subf %scan3A_387#2, %mul3A_392 : vector<16xf32>
      %mul3A_394 = arith.mulf %sub3A, %sub3A : vector<16xf32>
      %mul3A_395 = arith.mulf %mul3A_394, %scan3A_387#4 : vector<16xf32>
      %add3A_396 = arith.addf %sub3A_393, %mul3A_395 : vector<16xf32>
      %mul3A_397 = arith.constant 16 : i32
      %mul3A_398 = arith.muli %scan3A_376, %mul3A_397 : i32
      %add3A_399 = arith.constant 128 : i32
      %add3A_400 = arith.addi %add3A_399, %mul3A_398 : i32
      %swap3A = arith.index_cast %add3A_400 : i32 to index
      %swap3A_401 = tpu.vector_load %arg16[%swap3A] {strides = array<i32>} : memref<1024xf32, #tpu.memory_space<vmem>>, vector<16xf32>,
      tpu.vector_store %arg16[%swap3A], %add3A_396 {strides = array<i32>} : memref<1024xf32, #tpu.memory_space<vmem>>, vector<16xf32>,
      %scan3A_402 = arith.constant 0 : i32
      scf.yield %scan3A_402 : i32
    }
    %scan3A_93 = arith.constant 8 : i32
    %dma_start3A_94 = arith.constant 256 : i32
    %dma_start3A_95 = tpu.memref_slice %arg9[%dma_start3A_94] : memref<1024xi32, #tpu.memory_space<vmem>> -> memref<128xi32, #tpu.memory_space<vmem>>
    %dma_start3A_96 = arith.constant 0 : i32
    %dma_start3A_97 = arith.constant 0 : i32
    %dma_start3A_98 = tpu.memref_slice %arg5[%dma_start3A_96, %dma_start3A_97] : memref<1000000x64xf32, #tpu.memory_space<hbm>> -> memref<1000000x64xf32, #tpu.memory_space<hbm>>
    tpu.enqueue_indirect_dma source(%dma_start3A_98 : memref<1000000x64xf32, #tpu.memory_space<hbm>>) target(%arg12 : memref<128x64xf32, #tpu.memory_space<vmem>>) offsets(%dma_start3A_95 : memref<128xi32, #tpu.memory_space<vmem>>) semaphore(%arg17 : memref<!tpu.dma_semaphore, #tpu.memory_space<semaphore_mem>>)
    %dma_start3A_99 = arith.constant 256 : i32
    %dma_start3A_100 = tpu.memref_slice %arg11[%dma_start3A_99] : memref<1024xi32, #tpu.memory_space<vmem>> -> memref<128xi32, #tpu.memory_space<vmem>>
    %dma_start3A_101 = arith.constant 0 : i32
    %dma_start3A_102 = arith.constant 0 : i32
    %dma_start3A_103 = tpu.memref_slice %arg5[%dma_start3A_101, %dma_start3A_102] : memref<1000000x64xf32, #tpu.memory_space<hbm>> -> memref<1000000x64xf32, #tpu.memory_space<hbm>>
    tpu.enqueue_indirect_dma source(%dma_start3A_103 : memref<1000000x64xf32, #tpu.memory_space<hbm>>) target(%arg13 : memref<128x64xf32, #tpu.memory_space<vmem>>) offsets(%dma_start3A_100 : memref<128xi32, #tpu.memory_space<vmem>>) semaphore(%arg17 : memref<!tpu.dma_semaphore, #tpu.memory_space<semaphore_mem>>)
    %dma_start3A_104 = arith.constant 256 : i32
    %dma_start3A_105 = tpu.memref_slice %arg10[%dma_start3A_104] : memref<1024xi32, #tpu.memory_space<vmem>> -> memref<128xi32, #tpu.memory_space<vmem>>
    %dma_start3A_106 = arith.constant 0 : i32
    %dma_start3A_107 = arith.constant 0 : i32
    %dma_start3A_108 = tpu.memref_slice %arg6[%dma_start3A_106, %dma_start3A_107] : memref<1000x64xf32, #tpu.memory_space<hbm>> -> memref<1000x64xf32, #tpu.memory_space<hbm>>
    tpu.enqueue_indirect_dma source(%dma_start3A_108 : memref<1000x64xf32, #tpu.memory_space<hbm>>) target(%arg14 : memref<128x64xf32, #tpu.memory_space<vmem>>) offsets(%dma_start3A_105 : memref<128xi32, #tpu.memory_space<vmem>>) semaphore(%arg17 : memref<!tpu.dma_semaphore, #tpu.memory_space<semaphore_mem>>)
    %dma_start3A_109 = arith.constant 256 : i32
    %dma_start3A_110 = tpu.memref_slice %arg10[%dma_start3A_109] : memref<1024xi32, #tpu.memory_space<vmem>> -> memref<128xi32, #tpu.memory_space<vmem>>
    %dma_start3A_111 = arith.constant 0 : i32
    %dma_start3A_112 = arith.constant 0 : i32
    %dma_start3A_113 = tpu.memref_slice %arg7[%dma_start3A_111, %dma_start3A_112] : memref<1000x64xf32, #tpu.memory_space<hbm>> -> memref<1000x64xf32, #tpu.memory_space<hbm>>
    tpu.enqueue_indirect_dma source(%dma_start3A_113 : memref<1000x64xf32, #tpu.memory_space<hbm>>) target(%arg15 : memref<128x64xf32, #tpu.memory_space<vmem>>) offsets(%dma_start3A_110 : memref<128xi32, #tpu.memory_space<vmem>>) semaphore(%arg17 : memref<!tpu.dma_semaphore, #tpu.memory_space<semaphore_mem>>)
    %dma_wait3A_114 = arith.constant 256 : i32
    %dma_wait3A_115 = tpu.memref_slice %arg9[%dma_wait3A_114] : memref<1024xi32, #tpu.memory_space<vmem>> -> memref<128xi32, #tpu.memory_space<vmem>>
    %dma_wait3A_116 = arith.constant 0 : i32
    %dma_wait3A_117 = arith.constant 0 : i32
    %dma_wait3A_118 = tpu.memref_slice %arg5[%dma_wait3A_116, %dma_wait3A_117] : memref<1000000x64xf32, #tpu.memory_space<hbm>> -> memref<1000000x64xf32, #tpu.memory_space<hbm>>
    tpu.wait_indirect_dma semaphore(%arg17 : memref<!tpu.dma_semaphore, #tpu.memory_space<semaphore_mem>>) src(%dma_wait3A_118 : memref<1000000x64xf32, #tpu.memory_space<hbm>>) dst(%arg12 : memref<128x64xf32, #tpu.memory_space<vmem>>)
    %dma_wait3A_119 = arith.constant 256 : i32
    %dma_wait3A_120 = tpu.memref_slice %arg11[%dma_wait3A_119] : memref<1024xi32, #tpu.memory_space<vmem>> -> memref<128xi32, #tpu.memory_space<vmem>>
    %dma_wait3A_121 = arith.constant 0 : i32
    %dma_wait3A_122 = arith.constant 0 : i32
    %dma_wait3A_123 = tpu.memref_slice %arg5[%dma_wait3A_121, %dma_wait3A_122] : memref<1000000x64xf32, #tpu.memory_space<hbm>> -> memref<1000000x64xf32, #tpu.memory_space<hbm>>
    tpu.wait_indirect_dma semaphore(%arg17 : memref<!tpu.dma_semaphore, #tpu.memory_space<semaphore_mem>>) src(%dma_wait3A_123 : memref<1000000x64xf32, #tpu.memory_space<hbm>>) dst(%arg13 : memref<128x64xf32, #tpu.memory_space<vmem>>)
    %dma_wait3A_124 = arith.constant 256 : i32
    %dma_wait3A_125 = tpu.memref_slice %arg10[%dma_wait3A_124] : memref<1024xi32, #tpu.memory_space<vmem>> -> memref<128xi32, #tpu.memory_space<vmem>>
    %dma_wait3A_126 = arith.constant 0 : i32
    %dma_wait3A_127 = arith.constant 0 : i32
    %dma_wait3A_128 = tpu.memref_slice %arg6[%dma_wait3A_126, %dma_wait3A_127] : memref<1000x64xf32, #tpu.memory_space<hbm>> -> memref<1000x64xf32, #tpu.memory_space<hbm>>
    tpu.wait_indirect_dma semaphore(%arg17 : memref<!tpu.dma_semaphore, #tpu.memory_space<semaphore_mem>>) src(%dma_wait3A_128 : memref<1000x64xf32, #tpu.memory_space<hbm>>) dst(%arg14 : memref<128x64xf32, #tpu.memory_space<vmem>>)
    %dma_wait3A_129 = arith.constant 256 : i32
    %dma_wait3A_130 = tpu.memref_slice %arg10[%dma_wait3A_129] : memref<1024xi32, #tpu.memory_space<vmem>> -> memref<128xi32, #tpu.memory_space<vmem>>
    %dma_wait3A_131 = arith.constant 0 : i32
    %dma_wait3A_132 = arith.constant 0 : i32
    %dma_wait3A_133 = tpu.memref_slice %arg7[%dma_wait3A_131, %dma_wait3A_132] : memref<1000x64xf32, #tpu.memory_space<hbm>> -> memref<1000x64xf32, #tpu.memory_space<hbm>>
    tpu.wait_indirect_dma semaphore(%arg17 : memref<!tpu.dma_semaphore, #tpu.memory_space<semaphore_mem>>) src(%dma_wait3A_133 : memref<1000x64xf32, #tpu.memory_space<hbm>>) dst(%arg15 : memref<128x64xf32, #tpu.memory_space<vmem>>)
    %scan3A_134 = arith.constant 0 : i32
    %scan3A_135 = arith.constant 0 : i32
    %scan3A_136 = arith.constant 8 : i32
    %scan3A_137 = arith.addi %scan3A_135, %scan3A_136 : i32
    %scan3A_138 = arith.constant 1 : i32
    %scan3A_139 = scf.for %scan3A_376 = %scan3A_135 to %scan3A_137 step %scan3A_138 iter_args(%scan3A_377 = %scan3A_134) -> (i32)  : i32 {
      %mul3A_378 = arith.constant 16 : i32
      %mul3A_379 = arith.muli %scan3A_376, %mul3A_378 : i32
      %iota3A = tpu.iota {dimensions = array<i32: 0>} : vector<16xi32>
      %add3A_380 = vector.broadcast %mul3A_379 : i32 to vector<16xi32>
      %add3A_381 = arith.addi %add3A_380, %iota3A : vector<16xi32>
      %broadcast_in_dim3A = arith.constant 0.000000e+00 : f32
      %broadcast_in_dim3A_382 = vector.broadcast %broadcast_in_dim3A : f32 to vector<16xf32>
      %scan3A_383 = arith.constant 0 : i32
      %scan3A_384 = arith.constant 64 : i32
      %scan3A_385 = arith.addi %scan3A_383, %scan3A_384 : i32
      %scan3A_386 = arith.constant 1 : i32
      %scan3A_387:5 = scf.for %scan3A_403 = %scan3A_383 to %scan3A_385 step %scan3A_386 iter_args(%scan3A_404 = %broadcast_in_dim3A_382, %scan3A_405 = %broadcast_in_dim3A_382, %scan3A_406 = %broadcast_in_dim3A_382, %scan3A_407 = %broadcast_in_dim3A_382, %scan3A_408 = %broadcast_in_dim3A_382) -> (vector<16xf32>, vector<16xf32>, vector<16xf32>, vector<16xf32>, vector<16xf32>)  : i32 {
        %broadcast_in_dim3A_409 = arith.constant 0 : i32
        %broadcast_in_dim3A_410 = vector.broadcast %broadcast_in_dim3A_409 : i32 to vector<16xi32>
        %add3A_411 = vector.broadcast %scan3A_403 : i32 to vector<16xi32>
        %add3A_412 = arith.addi %broadcast_in_dim3A_410, %add3A_411 : vector<16xi32>
        %gather3A = tpu.vector_load_idx %arg12[%add3A_381, %add3A_412] : memref<128x64xf32, #tpu.memory_space<vmem>>[vector<16xi32>, vector<16xi32>], vector<16xf32>,
        %gather3A_413 = tpu.vector_load_idx %arg13[%add3A_381, %add3A_412] : memref<128x64xf32, #tpu.memory_space<vmem>>[vector<16xi32>, vector<16xi32>], vector<16xf32>,
        %gather3A_414 = tpu.vector_load_idx %arg14[%add3A_381, %add3A_412] : memref<128x64xf32, #tpu.memory_space<vmem>>[vector<16xi32>, vector<16xi32>], vector<16xf32>,
        %gather3A_415 = tpu.vector_load_idx %arg15[%add3A_381, %add3A_412] : memref<128x64xf32, #tpu.memory_space<vmem>>[vector<16xi32>, vector<16xi32>], vector<16xf32>,
        %add3A_416 = arith.addf %gather3A, %gather3A_414 : vector<16xf32>
        %sub3A_417 = arith.subf %add3A_416, %gather3A_413 : vector<16xf32>
        %add3A_418 = arith.constant 9.99999997E-7 : f32
        %add3A_419 = vector.broadcast %add3A_418 : f32 to vector<16xf32>
        %add3A_420 = arith.addf %sub3A_417, %add3A_419 : vector<16xf32>
        %mul3A_421 = arith.mulf %gather3A, %gather3A_415 : vector<16xf32>
        %add3A_422 = arith.addf %scan3A_404, %mul3A_421 : vector<16xf32>
        %mul3A_423 = arith.mulf %gather3A_413, %gather3A_415 : vector<16xf32>
        %add3A_424 = arith.addf %scan3A_405, %mul3A_423 : vector<16xf32>
        %mul3A_425 = arith.mulf %add3A_420, %add3A_420 : vector<16xf32>
        %add3A_426 = arith.addf %scan3A_406, %mul3A_425 : vector<16xf32>
        %mul3A_427 = arith.mulf %add3A_420, %gather3A_415 : vector<16xf32>
        %add3A_428 = arith.addf %scan3A_407, %mul3A_427 : vector<16xf32>
        %mul3A_429 = arith.mulf %gather3A_415, %gather3A_415 : vector<16xf32>
        %add3A_430 = arith.addf %scan3A_408, %mul3A_429 : vector<16xf32>
        scf.yield %add3A_422, %add3A_424, %add3A_426, %add3A_428, %add3A_430 : vector<16xf32>, vector<16xf32>, vector<16xf32>, vector<16xf32>, vector<16xf32>
      }
      %scan3A_388 = arith.constant 64 : i32
      %sub3A = arith.subf %scan3A_387#0, %scan3A_387#1 : vector<16xf32>
      %mul3A_389 = arith.constant 2.000000e+00 : f32
      %mul3A_390 = vector.broadcast %mul3A_389 : f32 to vector<16xf32>
      %mul3A_391 = arith.mulf %mul3A_390, %sub3A : vector<16xf32>
      %mul3A_392 = arith.mulf %mul3A_391, %scan3A_387#3 : vector<16xf32>
      %sub3A_393 = arith.subf %scan3A_387#2, %mul3A_392 : vector<16xf32>
      %mul3A_394 = arith.mulf %sub3A, %sub3A : vector<16xf32>
      %mul3A_395 = arith.mulf %mul3A_394, %scan3A_387#4 : vector<16xf32>
      %add3A_396 = arith.addf %sub3A_393, %mul3A_395 : vector<16xf32>
      %mul3A_397 = arith.constant 16 : i32
      %mul3A_398 = arith.muli %scan3A_376, %mul3A_397 : i32
      %add3A_399 = arith.constant 256 : i32
      %add3A_400 = arith.addi %add3A_399, %mul3A_398 : i32
      %swap3A = arith.index_cast %add3A_400 : i32 to index
      %swap3A_401 = tpu.vector_load %arg16[%swap3A] {strides = array<i32>} : memref<1024xf32, #tpu.memory_space<vmem>>, vector<16xf32>,
      tpu.vector_store %arg16[%swap3A], %add3A_396 {strides = array<i32>} : memref<1024xf32, #tpu.memory_space<vmem>>, vector<16xf32>,
      %scan3A_402 = arith.constant 0 : i32
      scf.yield %scan3A_402 : i32
    }
    %scan3A_140 = arith.constant 8 : i32
    %dma_start3A_141 = arith.constant 384 : i32
    %dma_start3A_142 = tpu.memref_slice %arg9[%dma_start3A_141] : memref<1024xi32, #tpu.memory_space<vmem>> -> memref<128xi32, #tpu.memory_space<vmem>>
    %dma_start3A_143 = arith.constant 0 : i32
    %dma_start3A_144 = arith.constant 0 : i32
    %dma_start3A_145 = tpu.memref_slice %arg5[%dma_start3A_143, %dma_start3A_144] : memref<1000000x64xf32, #tpu.memory_space<hbm>> -> memref<1000000x64xf32, #tpu.memory_space<hbm>>
    tpu.enqueue_indirect_dma source(%dma_start3A_145 : memref<1000000x64xf32, #tpu.memory_space<hbm>>) target(%arg12 : memref<128x64xf32, #tpu.memory_space<vmem>>) offsets(%dma_start3A_142 : memref<128xi32, #tpu.memory_space<vmem>>) semaphore(%arg17 : memref<!tpu.dma_semaphore, #tpu.memory_space<semaphore_mem>>)
    %dma_start3A_146 = arith.constant 384 : i32
    %dma_start3A_147 = tpu.memref_slice %arg11[%dma_start3A_146] : memref<1024xi32, #tpu.memory_space<vmem>> -> memref<128xi32, #tpu.memory_space<vmem>>
    %dma_start3A_148 = arith.constant 0 : i32
    %dma_start3A_149 = arith.constant 0 : i32
    %dma_start3A_150 = tpu.memref_slice %arg5[%dma_start3A_148, %dma_start3A_149] : memref<1000000x64xf32, #tpu.memory_space<hbm>> -> memref<1000000x64xf32, #tpu.memory_space<hbm>>
    tpu.enqueue_indirect_dma source(%dma_start3A_150 : memref<1000000x64xf32, #tpu.memory_space<hbm>>) target(%arg13 : memref<128x64xf32, #tpu.memory_space<vmem>>) offsets(%dma_start3A_147 : memref<128xi32, #tpu.memory_space<vmem>>) semaphore(%arg17 : memref<!tpu.dma_semaphore, #tpu.memory_space<semaphore_mem>>)
    %dma_start3A_151 = arith.constant 384 : i32
    %dma_start3A_152 = tpu.memref_slice %arg10[%dma_start3A_151] : memref<1024xi32, #tpu.memory_space<vmem>> -> memref<128xi32, #tpu.memory_space<vmem>>
    %dma_start3A_153 = arith.constant 0 : i32
    %dma_start3A_154 = arith.constant 0 : i32
    %dma_start3A_155 = tpu.memref_slice %arg6[%dma_start3A_153, %dma_start3A_154] : memref<1000x64xf32, #tpu.memory_space<hbm>> -> memref<1000x64xf32, #tpu.memory_space<hbm>>
    tpu.enqueue_indirect_dma source(%dma_start3A_155 : memref<1000x64xf32, #tpu.memory_space<hbm>>) target(%arg14 : memref<128x64xf32, #tpu.memory_space<vmem>>) offsets(%dma_start3A_152 : memref<128xi32, #tpu.memory_space<vmem>>) semaphore(%arg17 : memref<!tpu.dma_semaphore, #tpu.memory_space<semaphore_mem>>)
    %dma_start3A_156 = arith.constant 384 : i32
    %dma_start3A_157 = tpu.memref_slice %arg10[%dma_start3A_156] : memref<1024xi32, #tpu.memory_space<vmem>> -> memref<128xi32, #tpu.memory_space<vmem>>
    %dma_start3A_158 = arith.constant 0 : i32
    %dma_start3A_159 = arith.constant 0 : i32
    %dma_start3A_160 = tpu.memref_slice %arg7[%dma_start3A_158, %dma_start3A_159] : memref<1000x64xf32, #tpu.memory_space<hbm>> -> memref<1000x64xf32, #tpu.memory_space<hbm>>
    tpu.enqueue_indirect_dma source(%dma_start3A_160 : memref<1000x64xf32, #tpu.memory_space<hbm>>) target(%arg15 : memref<128x64xf32, #tpu.memory_space<vmem>>) offsets(%dma_start3A_157 : memref<128xi32, #tpu.memory_space<vmem>>) semaphore(%arg17 : memref<!tpu.dma_semaphore, #tpu.memory_space<semaphore_mem>>)
    %dma_wait3A_161 = arith.constant 384 : i32
    %dma_wait3A_162 = tpu.memref_slice %arg9[%dma_wait3A_161] : memref<1024xi32, #tpu.memory_space<vmem>> -> memref<128xi32, #tpu.memory_space<vmem>>
    %dma_wait3A_163 = arith.constant 0 : i32
    %dma_wait3A_164 = arith.constant 0 : i32
    %dma_wait3A_165 = tpu.memref_slice %arg5[%dma_wait3A_163, %dma_wait3A_164] : memref<1000000x64xf32, #tpu.memory_space<hbm>> -> memref<1000000x64xf32, #tpu.memory_space<hbm>>
    tpu.wait_indirect_dma semaphore(%arg17 : memref<!tpu.dma_semaphore, #tpu.memory_space<semaphore_mem>>) src(%dma_wait3A_165 : memref<1000000x64xf32, #tpu.memory_space<hbm>>) dst(%arg12 : memref<128x64xf32, #tpu.memory_space<vmem>>)
    %dma_wait3A_166 = arith.constant 384 : i32
    %dma_wait3A_167 = tpu.memref_slice %arg11[%dma_wait3A_166] : memref<1024xi32, #tpu.memory_space<vmem>> -> memref<128xi32, #tpu.memory_space<vmem>>
    %dma_wait3A_168 = arith.constant 0 : i32
    %dma_wait3A_169 = arith.constant 0 : i32
    %dma_wait3A_170 = tpu.memref_slice %arg5[%dma_wait3A_168, %dma_wait3A_169] : memref<1000000x64xf32, #tpu.memory_space<hbm>> -> memref<1000000x64xf32, #tpu.memory_space<hbm>>
    tpu.wait_indirect_dma semaphore(%arg17 : memref<!tpu.dma_semaphore, #tpu.memory_space<semaphore_mem>>) src(%dma_wait3A_170 : memref<1000000x64xf32, #tpu.memory_space<hbm>>) dst(%arg13 : memref<128x64xf32, #tpu.memory_space<vmem>>)
    %dma_wait3A_171 = arith.constant 384 : i32
    %dma_wait3A_172 = tpu.memref_slice %arg10[%dma_wait3A_171] : memref<1024xi32, #tpu.memory_space<vmem>> -> memref<128xi32, #tpu.memory_space<vmem>>
    %dma_wait3A_173 = arith.constant 0 : i32
    %dma_wait3A_174 = arith.constant 0 : i32
    %dma_wait3A_175 = tpu.memref_slice %arg6[%dma_wait3A_173, %dma_wait3A_174] : memref<1000x64xf32, #tpu.memory_space<hbm>> -> memref<1000x64xf32, #tpu.memory_space<hbm>>
    tpu.wait_indirect_dma semaphore(%arg17 : memref<!tpu.dma_semaphore, #tpu.memory_space<semaphore_mem>>) src(%dma_wait3A_175 : memref<1000x64xf32, #tpu.memory_space<hbm>>) dst(%arg14 : memref<128x64xf32, #tpu.memory_space<vmem>>)
    %dma_wait3A_176 = arith.constant 384 : i32
    %dma_wait3A_177 = tpu.memref_slice %arg10[%dma_wait3A_176] : memref<1024xi32, #tpu.memory_space<vmem>> -> memref<128xi32, #tpu.memory_space<vmem>>
    %dma_wait3A_178 = arith.constant 0 : i32
    %dma_wait3A_179 = arith.constant 0 : i32
    %dma_wait3A_180 = tpu.memref_slice %arg7[%dma_wait3A_178, %dma_wait3A_179] : memref<1000x64xf32, #tpu.memory_space<hbm>> -> memref<1000x64xf32, #tpu.memory_space<hbm>>
    tpu.wait_indirect_dma semaphore(%arg17 : memref<!tpu.dma_semaphore, #tpu.memory_space<semaphore_mem>>) src(%dma_wait3A_180 : memref<1000x64xf32, #tpu.memory_space<hbm>>) dst(%arg15 : memref<128x64xf32, #tpu.memory_space<vmem>>)
    %scan3A_181 = arith.constant 0 : i32
    %scan3A_182 = arith.constant 0 : i32
    %scan3A_183 = arith.constant 8 : i32
    %scan3A_184 = arith.addi %scan3A_182, %scan3A_183 : i32
    %scan3A_185 = arith.constant 1 : i32
    %scan3A_186 = scf.for %scan3A_376 = %scan3A_182 to %scan3A_184 step %scan3A_185 iter_args(%scan3A_377 = %scan3A_181) -> (i32)  : i32 {
      %mul3A_378 = arith.constant 16 : i32
      %mul3A_379 = arith.muli %scan3A_376, %mul3A_378 : i32
      %iota3A = tpu.iota {dimensions = array<i32: 0>} : vector<16xi32>
      %add3A_380 = vector.broadcast %mul3A_379 : i32 to vector<16xi32>
      %add3A_381 = arith.addi %add3A_380, %iota3A : vector<16xi32>
      %broadcast_in_dim3A = arith.constant 0.000000e+00 : f32
      %broadcast_in_dim3A_382 = vector.broadcast %broadcast_in_dim3A : f32 to vector<16xf32>
      %scan3A_383 = arith.constant 0 : i32
      %scan3A_384 = arith.constant 64 : i32
      %scan3A_385 = arith.addi %scan3A_383, %scan3A_384 : i32
      %scan3A_386 = arith.constant 1 : i32
      %scan3A_387:5 = scf.for %scan3A_403 = %scan3A_383 to %scan3A_385 step %scan3A_386 iter_args(%scan3A_404 = %broadcast_in_dim3A_382, %scan3A_405 = %broadcast_in_dim3A_382, %scan3A_406 = %broadcast_in_dim3A_382, %scan3A_407 = %broadcast_in_dim3A_382, %scan3A_408 = %broadcast_in_dim3A_382) -> (vector<16xf32>, vector<16xf32>, vector<16xf32>, vector<16xf32>, vector<16xf32>)  : i32 {
        %broadcast_in_dim3A_409 = arith.constant 0 : i32
        %broadcast_in_dim3A_410 = vector.broadcast %broadcast_in_dim3A_409 : i32 to vector<16xi32>
        %add3A_411 = vector.broadcast %scan3A_403 : i32 to vector<16xi32>
        %add3A_412 = arith.addi %broadcast_in_dim3A_410, %add3A_411 : vector<16xi32>
        %gather3A = tpu.vector_load_idx %arg12[%add3A_381, %add3A_412] : memref<128x64xf32, #tpu.memory_space<vmem>>[vector<16xi32>, vector<16xi32>], vector<16xf32>,
        %gather3A_413 = tpu.vector_load_idx %arg13[%add3A_381, %add3A_412] : memref<128x64xf32, #tpu.memory_space<vmem>>[vector<16xi32>, vector<16xi32>], vector<16xf32>,
        %gather3A_414 = tpu.vector_load_idx %arg14[%add3A_381, %add3A_412] : memref<128x64xf32, #tpu.memory_space<vmem>>[vector<16xi32>, vector<16xi32>], vector<16xf32>,
        %gather3A_415 = tpu.vector_load_idx %arg15[%add3A_381, %add3A_412] : memref<128x64xf32, #tpu.memory_space<vmem>>[vector<16xi32>, vector<16xi32>], vector<16xf32>,
        %add3A_416 = arith.addf %gather3A, %gather3A_414 : vector<16xf32>
        %sub3A_417 = arith.subf %add3A_416, %gather3A_413 : vector<16xf32>
        %add3A_418 = arith.constant 9.99999997E-7 : f32
        %add3A_419 = vector.broadcast %add3A_418 : f32 to vector<16xf32>
        %add3A_420 = arith.addf %sub3A_417, %add3A_419 : vector<16xf32>
        %mul3A_421 = arith.mulf %gather3A, %gather3A_415 : vector<16xf32>
        %add3A_422 = arith.addf %scan3A_404, %mul3A_421 : vector<16xf32>
        %mul3A_423 = arith.mulf %gather3A_413, %gather3A_415 : vector<16xf32>
        %add3A_424 = arith.addf %scan3A_405, %mul3A_423 : vector<16xf32>
        %mul3A_425 = arith.mulf %add3A_420, %add3A_420 : vector<16xf32>
        %add3A_426 = arith.addf %scan3A_406, %mul3A_425 : vector<16xf32>
        %mul3A_427 = arith.mulf %add3A_420, %gather3A_415 : vector<16xf32>
        %add3A_428 = arith.addf %scan3A_407, %mul3A_427 : vector<16xf32>
        %mul3A_429 = arith.mulf %gather3A_415, %gather3A_415 : vector<16xf32>
        %add3A_430 = arith.addf %scan3A_408, %mul3A_429 : vector<16xf32>
        scf.yield %add3A_422, %add3A_424, %add3A_426, %add3A_428, %add3A_430 : vector<16xf32>, vector<16xf32>, vector<16xf32>, vector<16xf32>, vector<16xf32>
      }
      %scan3A_388 = arith.constant 64 : i32
      %sub3A = arith.subf %scan3A_387#0, %scan3A_387#1 : vector<16xf32>
      %mul3A_389 = arith.constant 2.000000e+00 : f32
      %mul3A_390 = vector.broadcast %mul3A_389 : f32 to vector<16xf32>
      %mul3A_391 = arith.mulf %mul3A_390, %sub3A : vector<16xf32>
      %mul3A_392 = arith.mulf %mul3A_391, %scan3A_387#3 : vector<16xf32>
      %sub3A_393 = arith.subf %scan3A_387#2, %mul3A_392 : vector<16xf32>
      %mul3A_394 = arith.mulf %sub3A, %sub3A : vector<16xf32>
      %mul3A_395 = arith.mulf %mul3A_394, %scan3A_387#4 : vector<16xf32>
      %add3A_396 = arith.addf %sub3A_393, %mul3A_395 : vector<16xf32>
      %mul3A_397 = arith.constant 16 : i32
      %mul3A_398 = arith.muli %scan3A_376, %mul3A_397 : i32
      %add3A_399 = arith.constant 384 : i32
      %add3A_400 = arith.addi %add3A_399, %mul3A_398 : i32
      %swap3A = arith.index_cast %add3A_400 : i32 to index
      %swap3A_401 = tpu.vector_load %arg16[%swap3A] {strides = array<i32>} : memref<1024xf32, #tpu.memory_space<vmem>>, vector<16xf32>,
      tpu.vector_store %arg16[%swap3A], %add3A_396 {strides = array<i32>} : memref<1024xf32, #tpu.memory_space<vmem>>, vector<16xf32>,
      %scan3A_402 = arith.constant 0 : i32
      scf.yield %scan3A_402 : i32
    }
    %scan3A_187 = arith.constant 8 : i32
    %dma_start3A_188 = arith.constant 512 : i32
    %dma_start3A_189 = tpu.memref_slice %arg9[%dma_start3A_188] : memref<1024xi32, #tpu.memory_space<vmem>> -> memref<128xi32, #tpu.memory_space<vmem>>
    %dma_start3A_190 = arith.constant 0 : i32
    %dma_start3A_191 = arith.constant 0 : i32
    %dma_start3A_192 = tpu.memref_slice %arg5[%dma_start3A_190, %dma_start3A_191] : memref<1000000x64xf32, #tpu.memory_space<hbm>> -> memref<1000000x64xf32, #tpu.memory_space<hbm>>
    tpu.enqueue_indirect_dma source(%dma_start3A_192 : memref<1000000x64xf32, #tpu.memory_space<hbm>>) target(%arg12 : memref<128x64xf32, #tpu.memory_space<vmem>>) offsets(%dma_start3A_189 : memref<128xi32, #tpu.memory_space<vmem>>) semaphore(%arg17 : memref<!tpu.dma_semaphore, #tpu.memory_space<semaphore_mem>>)
    %dma_start3A_193 = arith.constant 512 : i32
    %dma_start3A_194 = tpu.memref_slice %arg11[%dma_start3A_193] : memref<1024xi32, #tpu.memory_space<vmem>> -> memref<128xi32, #tpu.memory_space<vmem>>
    %dma_start3A_195 = arith.constant 0 : i32
    %dma_start3A_196 = arith.constant 0 : i32
    %dma_start3A_197 = tpu.memref_slice %arg5[%dma_start3A_195, %dma_start3A_196] : memref<1000000x64xf32, #tpu.memory_space<hbm>> -> memref<1000000x64xf32, #tpu.memory_space<hbm>>
    tpu.enqueue_indirect_dma source(%dma_start3A_197 : memref<1000000x64xf32, #tpu.memory_space<hbm>>) target(%arg13 : memref<128x64xf32, #tpu.memory_space<vmem>>) offsets(%dma_start3A_194 : memref<128xi32, #tpu.memory_space<vmem>>) semaphore(%arg17 : memref<!tpu.dma_semaphore, #tpu.memory_space<semaphore_mem>>)
    %dma_start3A_198 = arith.constant 512 : i32
    %dma_start3A_199 = tpu.memref_slice %arg10[%dma_start3A_198] : memref<1024xi32, #tpu.memory_space<vmem>> -> memref<128xi32, #tpu.memory_space<vmem>>
    %dma_start3A_200 = arith.constant 0 : i32
    %dma_start3A_201 = arith.constant 0 : i32
    %dma_start3A_202 = tpu.memref_slice %arg6[%dma_start3A_200, %dma_start3A_201] : memref<1000x64xf32, #tpu.memory_space<hbm>> -> memref<1000x64xf32, #tpu.memory_space<hbm>>
    tpu.enqueue_indirect_dma source(%dma_start3A_202 : memref<1000x64xf32, #tpu.memory_space<hbm>>) target(%arg14 : memref<128x64xf32, #tpu.memory_space<vmem>>) offsets(%dma_start3A_199 : memref<128xi32, #tpu.memory_space<vmem>>) semaphore(%arg17 : memref<!tpu.dma_semaphore, #tpu.memory_space<semaphore_mem>>)
    %dma_start3A_203 = arith.constant 512 : i32
    %dma_start3A_204 = tpu.memref_slice %arg10[%dma_start3A_203] : memref<1024xi32, #tpu.memory_space<vmem>> -> memref<128xi32, #tpu.memory_space<vmem>>
    %dma_start3A_205 = arith.constant 0 : i32
    %dma_start3A_206 = arith.constant 0 : i32
    %dma_start3A_207 = tpu.memref_slice %arg7[%dma_start3A_205, %dma_start3A_206] : memref<1000x64xf32, #tpu.memory_space<hbm>> -> memref<1000x64xf32, #tpu.memory_space<hbm>>
    tpu.enqueue_indirect_dma source(%dma_start3A_207 : memref<1000x64xf32, #tpu.memory_space<hbm>>) target(%arg15 : memref<128x64xf32, #tpu.memory_space<vmem>>) offsets(%dma_start3A_204 : memref<128xi32, #tpu.memory_space<vmem>>) semaphore(%arg17 : memref<!tpu.dma_semaphore, #tpu.memory_space<semaphore_mem>>)
    %dma_wait3A_208 = arith.constant 512 : i32
    %dma_wait3A_209 = tpu.memref_slice %arg9[%dma_wait3A_208] : memref<1024xi32, #tpu.memory_space<vmem>> -> memref<128xi32, #tpu.memory_space<vmem>>
    %dma_wait3A_210 = arith.constant 0 : i32
    %dma_wait3A_211 = arith.constant 0 : i32
    %dma_wait3A_212 = tpu.memref_slice %arg5[%dma_wait3A_210, %dma_wait3A_211] : memref<1000000x64xf32, #tpu.memory_space<hbm>> -> memref<1000000x64xf32, #tpu.memory_space<hbm>>
    tpu.wait_indirect_dma semaphore(%arg17 : memref<!tpu.dma_semaphore, #tpu.memory_space<semaphore_mem>>) src(%dma_wait3A_212 : memref<1000000x64xf32, #tpu.memory_space<hbm>>) dst(%arg12 : memref<128x64xf32, #tpu.memory_space<vmem>>)
    %dma_wait3A_213 = arith.constant 512 : i32
    %dma_wait3A_214 = tpu.memref_slice %arg11[%dma_wait3A_213] : memref<1024xi32, #tpu.memory_space<vmem>> -> memref<128xi32, #tpu.memory_space<vmem>>
    %dma_wait3A_215 = arith.constant 0 : i32
    %dma_wait3A_216 = arith.constant 0 : i32
    %dma_wait3A_217 = tpu.memref_slice %arg5[%dma_wait3A_215, %dma_wait3A_216] : memref<1000000x64xf32, #tpu.memory_space<hbm>> -> memref<1000000x64xf32, #tpu.memory_space<hbm>>
    tpu.wait_indirect_dma semaphore(%arg17 : memref<!tpu.dma_semaphore, #tpu.memory_space<semaphore_mem>>) src(%dma_wait3A_217 : memref<1000000x64xf32, #tpu.memory_space<hbm>>) dst(%arg13 : memref<128x64xf32, #tpu.memory_space<vmem>>)
    %dma_wait3A_218 = arith.constant 512 : i32
    %dma_wait3A_219 = tpu.memref_slice %arg10[%dma_wait3A_218] : memref<1024xi32, #tpu.memory_space<vmem>> -> memref<128xi32, #tpu.memory_space<vmem>>
    %dma_wait3A_220 = arith.constant 0 : i32
    %dma_wait3A_221 = arith.constant 0 : i32
    %dma_wait3A_222 = tpu.memref_slice %arg6[%dma_wait3A_220, %dma_wait3A_221] : memref<1000x64xf32, #tpu.memory_space<hbm>> -> memref<1000x64xf32, #tpu.memory_space<hbm>>
    tpu.wait_indirect_dma semaphore(%arg17 : memref<!tpu.dma_semaphore, #tpu.memory_space<semaphore_mem>>) src(%dma_wait3A_222 : memref<1000x64xf32, #tpu.memory_space<hbm>>) dst(%arg14 : memref<128x64xf32, #tpu.memory_space<vmem>>)
    %dma_wait3A_223 = arith.constant 512 : i32
    %dma_wait3A_224 = tpu.memref_slice %arg10[%dma_wait3A_223] : memref<1024xi32, #tpu.memory_space<vmem>> -> memref<128xi32, #tpu.memory_space<vmem>>
    %dma_wait3A_225 = arith.constant 0 : i32
    %dma_wait3A_226 = arith.constant 0 : i32
    %dma_wait3A_227 = tpu.memref_slice %arg7[%dma_wait3A_225, %dma_wait3A_226] : memref<1000x64xf32, #tpu.memory_space<hbm>> -> memref<1000x64xf32, #tpu.memory_space<hbm>>
    tpu.wait_indirect_dma semaphore(%arg17 : memref<!tpu.dma_semaphore, #tpu.memory_space<semaphore_mem>>) src(%dma_wait3A_227 : memref<1000x64xf32, #tpu.memory_space<hbm>>) dst(%arg15 : memref<128x64xf32, #tpu.memory_space<vmem>>)
    %scan3A_228 = arith.constant 0 : i32
    %scan3A_229 = arith.constant 0 : i32
    %scan3A_230 = arith.constant 8 : i32
    %scan3A_231 = arith.addi %scan3A_229, %scan3A_230 : i32
    %scan3A_232 = arith.constant 1 : i32
    %scan3A_233 = scf.for %scan3A_376 = %scan3A_229 to %scan3A_231 step %scan3A_232 iter_args(%scan3A_377 = %scan3A_228) -> (i32)  : i32 {
      %mul3A_378 = arith.constant 16 : i32
      %mul3A_379 = arith.muli %scan3A_376, %mul3A_378 : i32
      %iota3A = tpu.iota {dimensions = array<i32: 0>} : vector<16xi32>
      %add3A_380 = vector.broadcast %mul3A_379 : i32 to vector<16xi32>
      %add3A_381 = arith.addi %add3A_380, %iota3A : vector<16xi32>
      %broadcast_in_dim3A = arith.constant 0.000000e+00 : f32
      %broadcast_in_dim3A_382 = vector.broadcast %broadcast_in_dim3A : f32 to vector<16xf32>
      %scan3A_383 = arith.constant 0 : i32
      %scan3A_384 = arith.constant 64 : i32
      %scan3A_385 = arith.addi %scan3A_383, %scan3A_384 : i32
      %scan3A_386 = arith.constant 1 : i32
      %scan3A_387:5 = scf.for %scan3A_403 = %scan3A_383 to %scan3A_385 step %scan3A_386 iter_args(%scan3A_404 = %broadcast_in_dim3A_382, %scan3A_405 = %broadcast_in_dim3A_382, %scan3A_406 = %broadcast_in_dim3A_382, %scan3A_407 = %broadcast_in_dim3A_382, %scan3A_408 = %broadcast_in_dim3A_382) -> (vector<16xf32>, vector<16xf32>, vector<16xf32>, vector<16xf32>, vector<16xf32>)  : i32 {
        %broadcast_in_dim3A_409 = arith.constant 0 : i32
        %broadcast_in_dim3A_410 = vector.broadcast %broadcast_in_dim3A_409 : i32 to vector<16xi32>
        %add3A_411 = vector.broadcast %scan3A_403 : i32 to vector<16xi32>
        %add3A_412 = arith.addi %broadcast_in_dim3A_410, %add3A_411 : vector<16xi32>
        %gather3A = tpu.vector_load_idx %arg12[%add3A_381, %add3A_412] : memref<128x64xf32, #tpu.memory_space<vmem>>[vector<16xi32>, vector<16xi32>], vector<16xf32>,
        %gather3A_413 = tpu.vector_load_idx %arg13[%add3A_381, %add3A_412] : memref<128x64xf32, #tpu.memory_space<vmem>>[vector<16xi32>, vector<16xi32>], vector<16xf32>,
        %gather3A_414 = tpu.vector_load_idx %arg14[%add3A_381, %add3A_412] : memref<128x64xf32, #tpu.memory_space<vmem>>[vector<16xi32>, vector<16xi32>], vector<16xf32>,
        %gather3A_415 = tpu.vector_load_idx %arg15[%add3A_381, %add3A_412] : memref<128x64xf32, #tpu.memory_space<vmem>>[vector<16xi32>, vector<16xi32>], vector<16xf32>,
        %add3A_416 = arith.addf %gather3A, %gather3A_414 : vector<16xf32>
        %sub3A_417 = arith.subf %add3A_416, %gather3A_413 : vector<16xf32>
        %add3A_418 = arith.constant 9.99999997E-7 : f32
        %add3A_419 = vector.broadcast %add3A_418 : f32 to vector<16xf32>
        %add3A_420 = arith.addf %sub3A_417, %add3A_419 : vector<16xf32>
        %mul3A_421 = arith.mulf %gather3A, %gather3A_415 : vector<16xf32>
        %add3A_422 = arith.addf %scan3A_404, %mul3A_421 : vector<16xf32>
        %mul3A_423 = arith.mulf %gather3A_413, %gather3A_415 : vector<16xf32>
        %add3A_424 = arith.addf %scan3A_405, %mul3A_423 : vector<16xf32>
        %mul3A_425 = arith.mulf %add3A_420, %add3A_420 : vector<16xf32>
        %add3A_426 = arith.addf %scan3A_406, %mul3A_425 : vector<16xf32>
        %mul3A_427 = arith.mulf %add3A_420, %gather3A_415 : vector<16xf32>
        %add3A_428 = arith.addf %scan3A_407, %mul3A_427 : vector<16xf32>
        %mul3A_429 = arith.mulf %gather3A_415, %gather3A_415 : vector<16xf32>
        %add3A_430 = arith.addf %scan3A_408, %mul3A_429 : vector<16xf32>
        scf.yield %add3A_422, %add3A_424, %add3A_426, %add3A_428, %add3A_430 : vector<16xf32>, vector<16xf32>, vector<16xf32>, vector<16xf32>, vector<16xf32>
      }
      %scan3A_388 = arith.constant 64 : i32
      %sub3A = arith.subf %scan3A_387#0, %scan3A_387#1 : vector<16xf32>
      %mul3A_389 = arith.constant 2.000000e+00 : f32
      %mul3A_390 = vector.broadcast %mul3A_389 : f32 to vector<16xf32>
      %mul3A_391 = arith.mulf %mul3A_390, %sub3A : vector<16xf32>
      %mul3A_392 = arith.mulf %mul3A_391, %scan3A_387#3 : vector<16xf32>
      %sub3A_393 = arith.subf %scan3A_387#2, %mul3A_392 : vector<16xf32>
      %mul3A_394 = arith.mulf %sub3A, %sub3A : vector<16xf32>
      %mul3A_395 = arith.mulf %mul3A_394, %scan3A_387#4 : vector<16xf32>
      %add3A_396 = arith.addf %sub3A_393, %mul3A_395 : vector<16xf32>
      %mul3A_397 = arith.constant 16 : i32
      %mul3A_398 = arith.muli %scan3A_376, %mul3A_397 : i32
      %add3A_399 = arith.constant 512 : i32
      %add3A_400 = arith.addi %add3A_399, %mul3A_398 : i32
      %swap3A = arith.index_cast %add3A_400 : i32 to index
      %swap3A_401 = tpu.vector_load %arg16[%swap3A] {strides = array<i32>} : memref<1024xf32, #tpu.memory_space<vmem>>, vector<16xf32>,
      tpu.vector_store %arg16[%swap3A], %add3A_396 {strides = array<i32>} : memref<1024xf32, #tpu.memory_space<vmem>>, vector<16xf32>,
      %scan3A_402 = arith.constant 0 : i32
      scf.yield %scan3A_402 : i32
    }
    %scan3A_234 = arith.constant 8 : i32
    %dma_start3A_235 = arith.constant 640 : i32
    %dma_start3A_236 = tpu.memref_slice %arg9[%dma_start3A_235] : memref<1024xi32, #tpu.memory_space<vmem>> -> memref<128xi32, #tpu.memory_space<vmem>>
    %dma_start3A_237 = arith.constant 0 : i32
    %dma_start3A_238 = arith.constant 0 : i32
    %dma_start3A_239 = tpu.memref_slice %arg5[%dma_start3A_237, %dma_start3A_238] : memref<1000000x64xf32, #tpu.memory_space<hbm>> -> memref<1000000x64xf32, #tpu.memory_space<hbm>>
    tpu.enqueue_indirect_dma source(%dma_start3A_239 : memref<1000000x64xf32, #tpu.memory_space<hbm>>) target(%arg12 : memref<128x64xf32, #tpu.memory_space<vmem>>) offsets(%dma_start3A_236 : memref<128xi32, #tpu.memory_space<vmem>>) semaphore(%arg17 : memref<!tpu.dma_semaphore, #tpu.memory_space<semaphore_mem>>)
    %dma_start3A_240 = arith.constant 640 : i32
    %dma_start3A_241 = tpu.memref_slice %arg11[%dma_start3A_240] : memref<1024xi32, #tpu.memory_space<vmem>> -> memref<128xi32, #tpu.memory_space<vmem>>
    %dma_start3A_242 = arith.constant 0 : i32
    %dma_start3A_243 = arith.constant 0 : i32
    %dma_start3A_244 = tpu.memref_slice %arg5[%dma_start3A_242, %dma_start3A_243] : memref<1000000x64xf32, #tpu.memory_space<hbm>> -> memref<1000000x64xf32, #tpu.memory_space<hbm>>
    tpu.enqueue_indirect_dma source(%dma_start3A_244 : memref<1000000x64xf32, #tpu.memory_space<hbm>>) target(%arg13 : memref<128x64xf32, #tpu.memory_space<vmem>>) offsets(%dma_start3A_241 : memref<128xi32, #tpu.memory_space<vmem>>) semaphore(%arg17 : memref<!tpu.dma_semaphore, #tpu.memory_space<semaphore_mem>>)
    %dma_start3A_245 = arith.constant 640 : i32
    %dma_start3A_246 = tpu.memref_slice %arg10[%dma_start3A_245] : memref<1024xi32, #tpu.memory_space<vmem>> -> memref<128xi32, #tpu.memory_space<vmem>>
    %dma_start3A_247 = arith.constant 0 : i32
    %dma_start3A_248 = arith.constant 0 : i32
    %dma_start3A_249 = tpu.memref_slice %arg6[%dma_start3A_247, %dma_start3A_248] : memref<1000x64xf32, #tpu.memory_space<hbm>> -> memref<1000x64xf32, #tpu.memory_space<hbm>>
    tpu.enqueue_indirect_dma source(%dma_start3A_249 : memref<1000x64xf32, #tpu.memory_space<hbm>>) target(%arg14 : memref<128x64xf32, #tpu.memory_space<vmem>>) offsets(%dma_start3A_246 : memref<128xi32, #tpu.memory_space<vmem>>) semaphore(%arg17 : memref<!tpu.dma_semaphore, #tpu.memory_space<semaphore_mem>>)
    %dma_start3A_250 = arith.constant 640 : i32
    %dma_start3A_251 = tpu.memref_slice %arg10[%dma_start3A_250] : memref<1024xi32, #tpu.memory_space<vmem>> -> memref<128xi32, #tpu.memory_space<vmem>>
    %dma_start3A_252 = arith.constant 0 : i32
    %dma_start3A_253 = arith.constant 0 : i32
    %dma_start3A_254 = tpu.memref_slice %arg7[%dma_start3A_252, %dma_start3A_253] : memref<1000x64xf32, #tpu.memory_space<hbm>> -> memref<1000x64xf32, #tpu.memory_space<hbm>>
    tpu.enqueue_indirect_dma source(%dma_start3A_254 : memref<1000x64xf32, #tpu.memory_space<hbm>>) target(%arg15 : memref<128x64xf32, #tpu.memory_space<vmem>>) offsets(%dma_start3A_251 : memref<128xi32, #tpu.memory_space<vmem>>) semaphore(%arg17 : memref<!tpu.dma_semaphore, #tpu.memory_space<semaphore_mem>>)
    %dma_wait3A_255 = arith.constant 640 : i32
    %dma_wait3A_256 = tpu.memref_slice %arg9[%dma_wait3A_255] : memref<1024xi32, #tpu.memory_space<vmem>> -> memref<128xi32, #tpu.memory_space<vmem>>
    %dma_wait3A_257 = arith.constant 0 : i32
    %dma_wait3A_258 = arith.constant 0 : i32
    %dma_wait3A_259 = tpu.memref_slice %arg5[%dma_wait3A_257, %dma_wait3A_258] : memref<1000000x64xf32, #tpu.memory_space<hbm>> -> memref<1000000x64xf32, #tpu.memory_space<hbm>>
    tpu.wait_indirect_dma semaphore(%arg17 : memref<!tpu.dma_semaphore, #tpu.memory_space<semaphore_mem>>) src(%dma_wait3A_259 : memref<1000000x64xf32, #tpu.memory_space<hbm>>) dst(%arg12 : memref<128x64xf32, #tpu.memory_space<vmem>>)
    %dma_wait3A_260 = arith.constant 640 : i32
    %dma_wait3A_261 = tpu.memref_slice %arg11[%dma_wait3A_260] : memref<1024xi32, #tpu.memory_space<vmem>> -> memref<128xi32, #tpu.memory_space<vmem>>
    %dma_wait3A_262 = arith.constant 0 : i32
    %dma_wait3A_263 = arith.constant 0 : i32
    %dma_wait3A_264 = tpu.memref_slice %arg5[%dma_wait3A_262, %dma_wait3A_263] : memref<1000000x64xf32, #tpu.memory_space<hbm>> -> memref<1000000x64xf32, #tpu.memory_space<hbm>>
    tpu.wait_indirect_dma semaphore(%arg17 : memref<!tpu.dma_semaphore, #tpu.memory_space<semaphore_mem>>) src(%dma_wait3A_264 : memref<1000000x64xf32, #tpu.memory_space<hbm>>) dst(%arg13 : memref<128x64xf32, #tpu.memory_space<vmem>>)
    %dma_wait3A_265 = arith.constant 640 : i32
    %dma_wait3A_266 = tpu.memref_slice %arg10[%dma_wait3A_265] : memref<1024xi32, #tpu.memory_space<vmem>> -> memref<128xi32, #tpu.memory_space<vmem>>
    %dma_wait3A_267 = arith.constant 0 : i32
    %dma_wait3A_268 = arith.constant 0 : i32
    %dma_wait3A_269 = tpu.memref_slice %arg6[%dma_wait3A_267, %dma_wait3A_268] : memref<1000x64xf32, #tpu.memory_space<hbm>> -> memref<1000x64xf32, #tpu.memory_space<hbm>>
    tpu.wait_indirect_dma semaphore(%arg17 : memref<!tpu.dma_semaphore, #tpu.memory_space<semaphore_mem>>) src(%dma_wait3A_269 : memref<1000x64xf32, #tpu.memory_space<hbm>>) dst(%arg14 : memref<128x64xf32, #tpu.memory_space<vmem>>)
    %dma_wait3A_270 = arith.constant 640 : i32
    %dma_wait3A_271 = tpu.memref_slice %arg10[%dma_wait3A_270] : memref<1024xi32, #tpu.memory_space<vmem>> -> memref<128xi32, #tpu.memory_space<vmem>>
    %dma_wait3A_272 = arith.constant 0 : i32
    %dma_wait3A_273 = arith.constant 0 : i32
    %dma_wait3A_274 = tpu.memref_slice %arg7[%dma_wait3A_272, %dma_wait3A_273] : memref<1000x64xf32, #tpu.memory_space<hbm>> -> memref<1000x64xf32, #tpu.memory_space<hbm>>
    tpu.wait_indirect_dma semaphore(%arg17 : memref<!tpu.dma_semaphore, #tpu.memory_space<semaphore_mem>>) src(%dma_wait3A_274 : memref<1000x64xf32, #tpu.memory_space<hbm>>) dst(%arg15 : memref<128x64xf32, #tpu.memory_space<vmem>>)
    %scan3A_275 = arith.constant 0 : i32
    %scan3A_276 = arith.constant 0 : i32
    %scan3A_277 = arith.constant 8 : i32
    %scan3A_278 = arith.addi %scan3A_276, %scan3A_277 : i32
    %scan3A_279 = arith.constant 1 : i32
    %scan3A_280 = scf.for %scan3A_376 = %scan3A_276 to %scan3A_278 step %scan3A_279 iter_args(%scan3A_377 = %scan3A_275) -> (i32)  : i32 {
      %mul3A_378 = arith.constant 16 : i32
      %mul3A_379 = arith.muli %scan3A_376, %mul3A_378 : i32
      %iota3A = tpu.iota {dimensions = array<i32: 0>} : vector<16xi32>
      %add3A_380 = vector.broadcast %mul3A_379 : i32 to vector<16xi32>
      %add3A_381 = arith.addi %add3A_380, %iota3A : vector<16xi32>
      %broadcast_in_dim3A = arith.constant 0.000000e+00 : f32
      %broadcast_in_dim3A_382 = vector.broadcast %broadcast_in_dim3A : f32 to vector<16xf32>
      %scan3A_383 = arith.constant 0 : i32
      %scan3A_384 = arith.constant 64 : i32
      %scan3A_385 = arith.addi %scan3A_383, %scan3A_384 : i32
      %scan3A_386 = arith.constant 1 : i32
      %scan3A_387:5 = scf.for %scan3A_403 = %scan3A_383 to %scan3A_385 step %scan3A_386 iter_args(%scan3A_404 = %broadcast_in_dim3A_382, %scan3A_405 = %broadcast_in_dim3A_382, %scan3A_406 = %broadcast_in_dim3A_382, %scan3A_407 = %broadcast_in_dim3A_382, %scan3A_408 = %broadcast_in_dim3A_382) -> (vector<16xf32>, vector<16xf32>, vector<16xf32>, vector<16xf32>, vector<16xf32>)  : i32 {
        %broadcast_in_dim3A_409 = arith.constant 0 : i32
        %broadcast_in_dim3A_410 = vector.broadcast %broadcast_in_dim3A_409 : i32 to vector<16xi32>
        %add3A_411 = vector.broadcast %scan3A_403 : i32 to vector<16xi32>
        %add3A_412 = arith.addi %broadcast_in_dim3A_410, %add3A_411 : vector<16xi32>
        %gather3A = tpu.vector_load_idx %arg12[%add3A_381, %add3A_412] : memref<128x64xf32, #tpu.memory_space<vmem>>[vector<16xi32>, vector<16xi32>], vector<16xf32>,
        %gather3A_413 = tpu.vector_load_idx %arg13[%add3A_381, %add3A_412] : memref<128x64xf32, #tpu.memory_space<vmem>>[vector<16xi32>, vector<16xi32>], vector<16xf32>,
        %gather3A_414 = tpu.vector_load_idx %arg14[%add3A_381, %add3A_412] : memref<128x64xf32, #tpu.memory_space<vmem>>[vector<16xi32>, vector<16xi32>], vector<16xf32>,
        %gather3A_415 = tpu.vector_load_idx %arg15[%add3A_381, %add3A_412] : memref<128x64xf32, #tpu.memory_space<vmem>>[vector<16xi32>, vector<16xi32>], vector<16xf32>,
        %add3A_416 = arith.addf %gather3A, %gather3A_414 : vector<16xf32>
        %sub3A_417 = arith.subf %add3A_416, %gather3A_413 : vector<16xf32>
        %add3A_418 = arith.constant 9.99999997E-7 : f32
        %add3A_419 = vector.broadcast %add3A_418 : f32 to vector<16xf32>
        %add3A_420 = arith.addf %sub3A_417, %add3A_419 : vector<16xf32>
        %mul3A_421 = arith.mulf %gather3A, %gather3A_415 : vector<16xf32>
        %add3A_422 = arith.addf %scan3A_404, %mul3A_421 : vector<16xf32>
        %mul3A_423 = arith.mulf %gather3A_413, %gather3A_415 : vector<16xf32>
        %add3A_424 = arith.addf %scan3A_405, %mul3A_423 : vector<16xf32>
        %mul3A_425 = arith.mulf %add3A_420, %add3A_420 : vector<16xf32>
        %add3A_426 = arith.addf %scan3A_406, %mul3A_425 : vector<16xf32>
        %mul3A_427 = arith.mulf %add3A_420, %gather3A_415 : vector<16xf32>
        %add3A_428 = arith.addf %scan3A_407, %mul3A_427 : vector<16xf32>
        %mul3A_429 = arith.mulf %gather3A_415, %gather3A_415 : vector<16xf32>
        %add3A_430 = arith.addf %scan3A_408, %mul3A_429 : vector<16xf32>
        scf.yield %add3A_422, %add3A_424, %add3A_426, %add3A_428, %add3A_430 : vector<16xf32>, vector<16xf32>, vector<16xf32>, vector<16xf32>, vector<16xf32>
      }
      %scan3A_388 = arith.constant 64 : i32
      %sub3A = arith.subf %scan3A_387#0, %scan3A_387#1 : vector<16xf32>
      %mul3A_389 = arith.constant 2.000000e+00 : f32
      %mul3A_390 = vector.broadcast %mul3A_389 : f32 to vector<16xf32>
      %mul3A_391 = arith.mulf %mul3A_390, %sub3A : vector<16xf32>
      %mul3A_392 = arith.mulf %mul3A_391, %scan3A_387#3 : vector<16xf32>
      %sub3A_393 = arith.subf %scan3A_387#2, %mul3A_392 : vector<16xf32>
      %mul3A_394 = arith.mulf %sub3A, %sub3A : vector<16xf32>
      %mul3A_395 = arith.mulf %mul3A_394, %scan3A_387#4 : vector<16xf32>
      %add3A_396 = arith.addf %sub3A_393, %mul3A_395 : vector<16xf32>
      %mul3A_397 = arith.constant 16 : i32
      %mul3A_398 = arith.muli %scan3A_376, %mul3A_397 : i32
      %add3A_399 = arith.constant 640 : i32
      %add3A_400 = arith.addi %add3A_399, %mul3A_398 : i32
      %swap3A = arith.index_cast %add3A_400 : i32 to index
      %swap3A_401 = tpu.vector_load %arg16[%swap3A] {strides = array<i32>} : memref<1024xf32, #tpu.memory_space<vmem>>, vector<16xf32>,
      tpu.vector_store %arg16[%swap3A], %add3A_396 {strides = array<i32>} : memref<1024xf32, #tpu.memory_space<vmem>>, vector<16xf32>,
      %scan3A_402 = arith.constant 0 : i32
      scf.yield %scan3A_402 : i32
    }
    %scan3A_281 = arith.constant 8 : i32
    %dma_start3A_282 = arith.constant 768 : i32
    %dma_start3A_283 = tpu.memref_slice %arg9[%dma_start3A_282] : memref<1024xi32, #tpu.memory_space<vmem>> -> memref<128xi32, #tpu.memory_space<vmem>>
    %dma_start3A_284 = arith.constant 0 : i32
    %dma_start3A_285 = arith.constant 0 : i32
    %dma_start3A_286 = tpu.memref_slice %arg5[%dma_start3A_284, %dma_start3A_285] : memref<1000000x64xf32, #tpu.memory_space<hbm>> -> memref<1000000x64xf32, #tpu.memory_space<hbm>>
    tpu.enqueue_indirect_dma source(%dma_start3A_286 : memref<1000000x64xf32, #tpu.memory_space<hbm>>) target(%arg12 : memref<128x64xf32, #tpu.memory_space<vmem>>) offsets(%dma_start3A_283 : memref<128xi32, #tpu.memory_space<vmem>>) semaphore(%arg17 : memref<!tpu.dma_semaphore, #tpu.memory_space<semaphore_mem>>)
    %dma_start3A_287 = arith.constant 768 : i32
    %dma_start3A_288 = tpu.memref_slice %arg11[%dma_start3A_287] : memref<1024xi32, #tpu.memory_space<vmem>> -> memref<128xi32, #tpu.memory_space<vmem>>
    %dma_start3A_289 = arith.constant 0 : i32
    %dma_start3A_290 = arith.constant 0 : i32
    %dma_start3A_291 = tpu.memref_slice %arg5[%dma_start3A_289, %dma_start3A_290] : memref<1000000x64xf32, #tpu.memory_space<hbm>> -> memref<1000000x64xf32, #tpu.memory_space<hbm>>
    tpu.enqueue_indirect_dma source(%dma_start3A_291 : memref<1000000x64xf32, #tpu.memory_space<hbm>>) target(%arg13 : memref<128x64xf32, #tpu.memory_space<vmem>>) offsets(%dma_start3A_288 : memref<128xi32, #tpu.memory_space<vmem>>) semaphore(%arg17 : memref<!tpu.dma_semaphore, #tpu.memory_space<semaphore_mem>>)
    %dma_start3A_292 = arith.constant 768 : i32
    %dma_start3A_293 = tpu.memref_slice %arg10[%dma_start3A_292] : memref<1024xi32, #tpu.memory_space<vmem>> -> memref<128xi32, #tpu.memory_space<vmem>>
    %dma_start3A_294 = arith.constant 0 : i32
    %dma_start3A_295 = arith.constant 0 : i32
    %dma_start3A_296 = tpu.memref_slice %arg6[%dma_start3A_294, %dma_start3A_295] : memref<1000x64xf32, #tpu.memory_space<hbm>> -> memref<1000x64xf32, #tpu.memory_space<hbm>>
    tpu.enqueue_indirect_dma source(%dma_start3A_296 : memref<1000x64xf32, #tpu.memory_space<hbm>>) target(%arg14 : memref<128x64xf32, #tpu.memory_space<vmem>>) offsets(%dma_start3A_293 : memref<128xi32, #tpu.memory_space<vmem>>) semaphore(%arg17 : memref<!tpu.dma_semaphore, #tpu.memory_space<semaphore_mem>>)
    %dma_start3A_297 = arith.constant 768 : i32
    %dma_start3A_298 = tpu.memref_slice %arg10[%dma_start3A_297] : memref<1024xi32, #tpu.memory_space<vmem>> -> memref<128xi32, #tpu.memory_space<vmem>>
    %dma_start3A_299 = arith.constant 0 : i32
    %dma_start3A_300 = arith.constant 0 : i32
    %dma_start3A_301 = tpu.memref_slice %arg7[%dma_start3A_299, %dma_start3A_300] : memref<1000x64xf32, #tpu.memory_space<hbm>> -> memref<1000x64xf32, #tpu.memory_space<hbm>>
    tpu.enqueue_indirect_dma source(%dma_start3A_301 : memref<1000x64xf32, #tpu.memory_space<hbm>>) target(%arg15 : memref<128x64xf32, #tpu.memory_space<vmem>>) offsets(%dma_start3A_298 : memref<128xi32, #tpu.memory_space<vmem>>) semaphore(%arg17 : memref<!tpu.dma_semaphore, #tpu.memory_space<semaphore_mem>>)
    %dma_wait3A_302 = arith.constant 768 : i32
    %dma_wait3A_303 = tpu.memref_slice %arg9[%dma_wait3A_302] : memref<1024xi32, #tpu.memory_space<vmem>> -> memref<128xi32, #tpu.memory_space<vmem>>
    %dma_wait3A_304 = arith.constant 0 : i32
    %dma_wait3A_305 = arith.constant 0 : i32
    %dma_wait3A_306 = tpu.memref_slice %arg5[%dma_wait3A_304, %dma_wait3A_305] : memref<1000000x64xf32, #tpu.memory_space<hbm>> -> memref<1000000x64xf32, #tpu.memory_space<hbm>>
    tpu.wait_indirect_dma semaphore(%arg17 : memref<!tpu.dma_semaphore, #tpu.memory_space<semaphore_mem>>) src(%dma_wait3A_306 : memref<1000000x64xf32, #tpu.memory_space<hbm>>) dst(%arg12 : memref<128x64xf32, #tpu.memory_space<vmem>>)
    %dma_wait3A_307 = arith.constant 768 : i32
    %dma_wait3A_308 = tpu.memref_slice %arg11[%dma_wait3A_307] : memref<1024xi32, #tpu.memory_space<vmem>> -> memref<128xi32, #tpu.memory_space<vmem>>
    %dma_wait3A_309 = arith.constant 0 : i32
    %dma_wait3A_310 = arith.constant 0 : i32
    %dma_wait3A_311 = tpu.memref_slice %arg5[%dma_wait3A_309, %dma_wait3A_310] : memref<1000000x64xf32, #tpu.memory_space<hbm>> -> memref<1000000x64xf32, #tpu.memory_space<hbm>>
    tpu.wait_indirect_dma semaphore(%arg17 : memref<!tpu.dma_semaphore, #tpu.memory_space<semaphore_mem>>) src(%dma_wait3A_311 : memref<1000000x64xf32, #tpu.memory_space<hbm>>) dst(%arg13 : memref<128x64xf32, #tpu.memory_space<vmem>>)
    %dma_wait3A_312 = arith.constant 768 : i32
    %dma_wait3A_313 = tpu.memref_slice %arg10[%dma_wait3A_312] : memref<1024xi32, #tpu.memory_space<vmem>> -> memref<128xi32, #tpu.memory_space<vmem>>
    %dma_wait3A_314 = arith.constant 0 : i32
    %dma_wait3A_315 = arith.constant 0 : i32
    %dma_wait3A_316 = tpu.memref_slice %arg6[%dma_wait3A_314, %dma_wait3A_315] : memref<1000x64xf32, #tpu.memory_space<hbm>> -> memref<1000x64xf32, #tpu.memory_space<hbm>>
    tpu.wait_indirect_dma semaphore(%arg17 : memref<!tpu.dma_semaphore, #tpu.memory_space<semaphore_mem>>) src(%dma_wait3A_316 : memref<1000x64xf32, #tpu.memory_space<hbm>>) dst(%arg14 : memref<128x64xf32, #tpu.memory_space<vmem>>)
    %dma_wait3A_317 = arith.constant 768 : i32
    %dma_wait3A_318 = tpu.memref_slice %arg10[%dma_wait3A_317] : memref<1024xi32, #tpu.memory_space<vmem>> -> memref<128xi32, #tpu.memory_space<vmem>>
    %dma_wait3A_319 = arith.constant 0 : i32
    %dma_wait3A_320 = arith.constant 0 : i32
    %dma_wait3A_321 = tpu.memref_slice %arg7[%dma_wait3A_319, %dma_wait3A_320] : memref<1000x64xf32, #tpu.memory_space<hbm>> -> memref<1000x64xf32, #tpu.memory_space<hbm>>
    tpu.wait_indirect_dma semaphore(%arg17 : memref<!tpu.dma_semaphore, #tpu.memory_space<semaphore_mem>>) src(%dma_wait3A_321 : memref<1000x64xf32, #tpu.memory_space<hbm>>) dst(%arg15 : memref<128x64xf32, #tpu.memory_space<vmem>>)
    %scan3A_322 = arith.constant 0 : i32
    %scan3A_323 = arith.constant 0 : i32
    %scan3A_324 = arith.constant 8 : i32
    %scan3A_325 = arith.addi %scan3A_323, %scan3A_324 : i32
    %scan3A_326 = arith.constant 1 : i32
    %scan3A_327 = scf.for %scan3A_376 = %scan3A_323 to %scan3A_325 step %scan3A_326 iter_args(%scan3A_377 = %scan3A_322) -> (i32)  : i32 {
      %mul3A_378 = arith.constant 16 : i32
      %mul3A_379 = arith.muli %scan3A_376, %mul3A_378 : i32
      %iota3A = tpu.iota {dimensions = array<i32: 0>} : vector<16xi32>
      %add3A_380 = vector.broadcast %mul3A_379 : i32 to vector<16xi32>
      %add3A_381 = arith.addi %add3A_380, %iota3A : vector<16xi32>
      %broadcast_in_dim3A = arith.constant 0.000000e+00 : f32
      %broadcast_in_dim3A_382 = vector.broadcast %broadcast_in_dim3A : f32 to vector<16xf32>
      %scan3A_383 = arith.constant 0 : i32
      %scan3A_384 = arith.constant 64 : i32
      %scan3A_385 = arith.addi %scan3A_383, %scan3A_384 : i32
      %scan3A_386 = arith.constant 1 : i32
      %scan3A_387:5 = scf.for %scan3A_403 = %scan3A_383 to %scan3A_385 step %scan3A_386 iter_args(%scan3A_404 = %broadcast_in_dim3A_382, %scan3A_405 = %broadcast_in_dim3A_382, %scan3A_406 = %broadcast_in_dim3A_382, %scan3A_407 = %broadcast_in_dim3A_382, %scan3A_408 = %broadcast_in_dim3A_382) -> (vector<16xf32>, vector<16xf32>, vector<16xf32>, vector<16xf32>, vector<16xf32>)  : i32 {
        %broadcast_in_dim3A_409 = arith.constant 0 : i32
        %broadcast_in_dim3A_410 = vector.broadcast %broadcast_in_dim3A_409 : i32 to vector<16xi32>
        %add3A_411 = vector.broadcast %scan3A_403 : i32 to vector<16xi32>
        %add3A_412 = arith.addi %broadcast_in_dim3A_410, %add3A_411 : vector<16xi32>
        %gather3A = tpu.vector_load_idx %arg12[%add3A_381, %add3A_412] : memref<128x64xf32, #tpu.memory_space<vmem>>[vector<16xi32>, vector<16xi32>], vector<16xf32>,
        %gather3A_413 = tpu.vector_load_idx %arg13[%add3A_381, %add3A_412] : memref<128x64xf32, #tpu.memory_space<vmem>>[vector<16xi32>, vector<16xi32>], vector<16xf32>,
        %gather3A_414 = tpu.vector_load_idx %arg14[%add3A_381, %add3A_412] : memref<128x64xf32, #tpu.memory_space<vmem>>[vector<16xi32>, vector<16xi32>], vector<16xf32>,
        %gather3A_415 = tpu.vector_load_idx %arg15[%add3A_381, %add3A_412] : memref<128x64xf32, #tpu.memory_space<vmem>>[vector<16xi32>, vector<16xi32>], vector<16xf32>,
        %add3A_416 = arith.addf %gather3A, %gather3A_414 : vector<16xf32>
        %sub3A_417 = arith.subf %add3A_416, %gather3A_413 : vector<16xf32>
        %add3A_418 = arith.constant 9.99999997E-7 : f32
        %add3A_419 = vector.broadcast %add3A_418 : f32 to vector<16xf32>
        %add3A_420 = arith.addf %sub3A_417, %add3A_419 : vector<16xf32>
        %mul3A_421 = arith.mulf %gather3A, %gather3A_415 : vector<16xf32>
        %add3A_422 = arith.addf %scan3A_404, %mul3A_421 : vector<16xf32>
        %mul3A_423 = arith.mulf %gather3A_413, %gather3A_415 : vector<16xf32>
        %add3A_424 = arith.addf %scan3A_405, %mul3A_423 : vector<16xf32>
        %mul3A_425 = arith.mulf %add3A_420, %add3A_420 : vector<16xf32>
        %add3A_426 = arith.addf %scan3A_406, %mul3A_425 : vector<16xf32>
        %mul3A_427 = arith.mulf %add3A_420, %gather3A_415 : vector<16xf32>
        %add3A_428 = arith.addf %scan3A_407, %mul3A_427 : vector<16xf32>
        %mul3A_429 = arith.mulf %gather3A_415, %gather3A_415 : vector<16xf32>
        %add3A_430 = arith.addf %scan3A_408, %mul3A_429 : vector<16xf32>
        scf.yield %add3A_422, %add3A_424, %add3A_426, %add3A_428, %add3A_430 : vector<16xf32>, vector<16xf32>, vector<16xf32>, vector<16xf32>, vector<16xf32>
      }
      %scan3A_388 = arith.constant 64 : i32
      %sub3A = arith.subf %scan3A_387#0, %scan3A_387#1 : vector<16xf32>
      %mul3A_389 = arith.constant 2.000000e+00 : f32
      %mul3A_390 = vector.broadcast %mul3A_389 : f32 to vector<16xf32>
      %mul3A_391 = arith.mulf %mul3A_390, %sub3A : vector<16xf32>
      %mul3A_392 = arith.mulf %mul3A_391, %scan3A_387#3 : vector<16xf32>
      %sub3A_393 = arith.subf %scan3A_387#2, %mul3A_392 : vector<16xf32>
      %mul3A_394 = arith.mulf %sub3A, %sub3A : vector<16xf32>
      %mul3A_395 = arith.mulf %mul3A_394, %scan3A_387#4 : vector<16xf32>
      %add3A_396 = arith.addf %sub3A_393, %mul3A_395 : vector<16xf32>
      %mul3A_397 = arith.constant 16 : i32
      %mul3A_398 = arith.muli %scan3A_376, %mul3A_397 : i32
      %add3A_399 = arith.constant 768 : i32
      %add3A_400 = arith.addi %add3A_399, %mul3A_398 : i32
      %swap3A = arith.index_cast %add3A_400 : i32 to index
      %swap3A_401 = tpu.vector_load %arg16[%swap3A] {strides = array<i32>} : memref<1024xf32, #tpu.memory_space<vmem>>, vector<16xf32>,
      tpu.vector_store %arg16[%swap3A], %add3A_396 {strides = array<i32>} : memref<1024xf32, #tpu.memory_space<vmem>>, vector<16xf32>,
      %scan3A_402 = arith.constant 0 : i32
      scf.yield %scan3A_402 : i32
    }
    %scan3A_328 = arith.constant 8 : i32
    %dma_start3A_329 = arith.constant 896 : i32
    %dma_start3A_330 = tpu.memref_slice %arg9[%dma_start3A_329] : memref<1024xi32, #tpu.memory_space<vmem>> -> memref<128xi32, #tpu.memory_space<vmem>>
    %dma_start3A_331 = arith.constant 0 : i32
    %dma_start3A_332 = arith.constant 0 : i32
    %dma_start3A_333 = tpu.memref_slice %arg5[%dma_start3A_331, %dma_start3A_332] : memref<1000000x64xf32, #tpu.memory_space<hbm>> -> memref<1000000x64xf32, #tpu.memory_space<hbm>>
    tpu.enqueue_indirect_dma source(%dma_start3A_333 : memref<1000000x64xf32, #tpu.memory_space<hbm>>) target(%arg12 : memref<128x64xf32, #tpu.memory_space<vmem>>) offsets(%dma_start3A_330 : memref<128xi32, #tpu.memory_space<vmem>>) semaphore(%arg17 : memref<!tpu.dma_semaphore, #tpu.memory_space<semaphore_mem>>)
    %dma_start3A_334 = arith.constant 896 : i32
    %dma_start3A_335 = tpu.memref_slice %arg11[%dma_start3A_334] : memref<1024xi32, #tpu.memory_space<vmem>> -> memref<128xi32, #tpu.memory_space<vmem>>
    %dma_start3A_336 = arith.constant 0 : i32
    %dma_start3A_337 = arith.constant 0 : i32
    %dma_start3A_338 = tpu.memref_slice %arg5[%dma_start3A_336, %dma_start3A_337] : memref<1000000x64xf32, #tpu.memory_space<hbm>> -> memref<1000000x64xf32, #tpu.memory_space<hbm>>
    tpu.enqueue_indirect_dma source(%dma_start3A_338 : memref<1000000x64xf32, #tpu.memory_space<hbm>>) target(%arg13 : memref<128x64xf32, #tpu.memory_space<vmem>>) offsets(%dma_start3A_335 : memref<128xi32, #tpu.memory_space<vmem>>) semaphore(%arg17 : memref<!tpu.dma_semaphore, #tpu.memory_space<semaphore_mem>>)
    %dma_start3A_339 = arith.constant 896 : i32
    %dma_start3A_340 = tpu.memref_slice %arg10[%dma_start3A_339] : memref<1024xi32, #tpu.memory_space<vmem>> -> memref<128xi32, #tpu.memory_space<vmem>>
    %dma_start3A_341 = arith.constant 0 : i32
    %dma_start3A_342 = arith.constant 0 : i32
    %dma_start3A_343 = tpu.memref_slice %arg6[%dma_start3A_341, %dma_start3A_342] : memref<1000x64xf32, #tpu.memory_space<hbm>> -> memref<1000x64xf32, #tpu.memory_space<hbm>>
    tpu.enqueue_indirect_dma source(%dma_start3A_343 : memref<1000x64xf32, #tpu.memory_space<hbm>>) target(%arg14 : memref<128x64xf32, #tpu.memory_space<vmem>>) offsets(%dma_start3A_340 : memref<128xi32, #tpu.memory_space<vmem>>) semaphore(%arg17 : memref<!tpu.dma_semaphore, #tpu.memory_space<semaphore_mem>>)
    %dma_start3A_344 = arith.constant 896 : i32
    %dma_start3A_345 = tpu.memref_slice %arg10[%dma_start3A_344] : memref<1024xi32, #tpu.memory_space<vmem>> -> memref<128xi32, #tpu.memory_space<vmem>>
    %dma_start3A_346 = arith.constant 0 : i32
    %dma_start3A_347 = arith.constant 0 : i32
    %dma_start3A_348 = tpu.memref_slice %arg7[%dma_start3A_346, %dma_start3A_347] : memref<1000x64xf32, #tpu.memory_space<hbm>> -> memref<1000x64xf32, #tpu.memory_space<hbm>>
    tpu.enqueue_indirect_dma source(%dma_start3A_348 : memref<1000x64xf32, #tpu.memory_space<hbm>>) target(%arg15 : memref<128x64xf32, #tpu.memory_space<vmem>>) offsets(%dma_start3A_345 : memref<128xi32, #tpu.memory_space<vmem>>) semaphore(%arg17 : memref<!tpu.dma_semaphore, #tpu.memory_space<semaphore_mem>>)
    %dma_wait3A_349 = arith.constant 896 : i32
    %dma_wait3A_350 = tpu.memref_slice %arg9[%dma_wait3A_349] : memref<1024xi32, #tpu.memory_space<vmem>> -> memref<128xi32, #tpu.memory_space<vmem>>
    %dma_wait3A_351 = arith.constant 0 : i32
    %dma_wait3A_352 = arith.constant 0 : i32
    %dma_wait3A_353 = tpu.memref_slice %arg5[%dma_wait3A_351, %dma_wait3A_352] : memref<1000000x64xf32, #tpu.memory_space<hbm>> -> memref<1000000x64xf32, #tpu.memory_space<hbm>>
    tpu.wait_indirect_dma semaphore(%arg17 : memref<!tpu.dma_semaphore, #tpu.memory_space<semaphore_mem>>) src(%dma_wait3A_353 : memref<1000000x64xf32, #tpu.memory_space<hbm>>) dst(%arg12 : memref<128x64xf32, #tpu.memory_space<vmem>>)
    %dma_wait3A_354 = arith.constant 896 : i32
    %dma_wait3A_355 = tpu.memref_slice %arg11[%dma_wait3A_354] : memref<1024xi32, #tpu.memory_space<vmem>> -> memref<128xi32, #tpu.memory_space<vmem>>
    %dma_wait3A_356 = arith.constant 0 : i32
    %dma_wait3A_357 = arith.constant 0 : i32
    %dma_wait3A_358 = tpu.memref_slice %arg5[%dma_wait3A_356, %dma_wait3A_357] : memref<1000000x64xf32, #tpu.memory_space<hbm>> -> memref<1000000x64xf32, #tpu.memory_space<hbm>>
    tpu.wait_indirect_dma semaphore(%arg17 : memref<!tpu.dma_semaphore, #tpu.memory_space<semaphore_mem>>) src(%dma_wait3A_358 : memref<1000000x64xf32, #tpu.memory_space<hbm>>) dst(%arg13 : memref<128x64xf32, #tpu.memory_space<vmem>>)
    %dma_wait3A_359 = arith.constant 896 : i32
    %dma_wait3A_360 = tpu.memref_slice %arg10[%dma_wait3A_359] : memref<1024xi32, #tpu.memory_space<vmem>> -> memref<128xi32, #tpu.memory_space<vmem>>
    %dma_wait3A_361 = arith.constant 0 : i32
    %dma_wait3A_362 = arith.constant 0 : i32
    %dma_wait3A_363 = tpu.memref_slice %arg6[%dma_wait3A_361, %dma_wait3A_362] : memref<1000x64xf32, #tpu.memory_space<hbm>> -> memref<1000x64xf32, #tpu.memory_space<hbm>>
    tpu.wait_indirect_dma semaphore(%arg17 : memref<!tpu.dma_semaphore, #tpu.memory_space<semaphore_mem>>) src(%dma_wait3A_363 : memref<1000x64xf32, #tpu.memory_space<hbm>>) dst(%arg14 : memref<128x64xf32, #tpu.memory_space<vmem>>)
    %dma_wait3A_364 = arith.constant 896 : i32
    %dma_wait3A_365 = tpu.memref_slice %arg10[%dma_wait3A_364] : memref<1024xi32, #tpu.memory_space<vmem>> -> memref<128xi32, #tpu.memory_space<vmem>>
    %dma_wait3A_366 = arith.constant 0 : i32
    %dma_wait3A_367 = arith.constant 0 : i32
    %dma_wait3A_368 = tpu.memref_slice %arg7[%dma_wait3A_366, %dma_wait3A_367] : memref<1000x64xf32, #tpu.memory_space<hbm>> -> memref<1000x64xf32, #tpu.memory_space<hbm>>
    tpu.wait_indirect_dma semaphore(%arg17 : memref<!tpu.dma_semaphore, #tpu.memory_space<semaphore_mem>>) src(%dma_wait3A_368 : memref<1000x64xf32, #tpu.memory_space<hbm>>) dst(%arg15 : memref<128x64xf32, #tpu.memory_space<vmem>>)
    %scan3A_369 = arith.constant 0 : i32
    %scan3A_370 = arith.constant 0 : i32
    %scan3A_371 = arith.constant 8 : i32
    %scan3A_372 = arith.addi %scan3A_370, %scan3A_371 : i32
    %scan3A_373 = arith.constant 1 : i32
    %scan3A_374 = scf.for %scan3A_376 = %scan3A_370 to %scan3A_372 step %scan3A_373 iter_args(%scan3A_377 = %scan3A_369) -> (i32)  : i32 {
      %mul3A_378 = arith.constant 16 : i32
      %mul3A_379 = arith.muli %scan3A_376, %mul3A_378 : i32
      %iota3A = tpu.iota {dimensions = array<i32: 0>} : vector<16xi32>
      %add3A_380 = vector.broadcast %mul3A_379 : i32 to vector<16xi32>
      %add3A_381 = arith.addi %add3A_380, %iota3A : vector<16xi32>
      %broadcast_in_dim3A = arith.constant 0.000000e+00 : f32
      %broadcast_in_dim3A_382 = vector.broadcast %broadcast_in_dim3A : f32 to vector<16xf32>
      %scan3A_383 = arith.constant 0 : i32
      %scan3A_384 = arith.constant 64 : i32
      %scan3A_385 = arith.addi %scan3A_383, %scan3A_384 : i32
      %scan3A_386 = arith.constant 1 : i32
      %scan3A_387:5 = scf.for %scan3A_403 = %scan3A_383 to %scan3A_385 step %scan3A_386 iter_args(%scan3A_404 = %broadcast_in_dim3A_382, %scan3A_405 = %broadcast_in_dim3A_382, %scan3A_406 = %broadcast_in_dim3A_382, %scan3A_407 = %broadcast_in_dim3A_382, %scan3A_408 = %broadcast_in_dim3A_382) -> (vector<16xf32>, vector<16xf32>, vector<16xf32>, vector<16xf32>, vector<16xf32>)  : i32 {
        %broadcast_in_dim3A_409 = arith.constant 0 : i32
        %broadcast_in_dim3A_410 = vector.broadcast %broadcast_in_dim3A_409 : i32 to vector<16xi32>
        %add3A_411 = vector.broadcast %scan3A_403 : i32 to vector<16xi32>
        %add3A_412 = arith.addi %broadcast_in_dim3A_410, %add3A_411 : vector<16xi32>
        %gather3A = tpu.vector_load_idx %arg12[%add3A_381, %add3A_412] : memref<128x64xf32, #tpu.memory_space<vmem>>[vector<16xi32>, vector<16xi32>], vector<16xf32>,
        %gather3A_413 = tpu.vector_load_idx %arg13[%add3A_381, %add3A_412] : memref<128x64xf32, #tpu.memory_space<vmem>>[vector<16xi32>, vector<16xi32>], vector<16xf32>,
        %gather3A_414 = tpu.vector_load_idx %arg14[%add3A_381, %add3A_412] : memref<128x64xf32, #tpu.memory_space<vmem>>[vector<16xi32>, vector<16xi32>], vector<16xf32>,
        %gather3A_415 = tpu.vector_load_idx %arg15[%add3A_381, %add3A_412] : memref<128x64xf32, #tpu.memory_space<vmem>>[vector<16xi32>, vector<16xi32>], vector<16xf32>,
        %add3A_416 = arith.addf %gather3A, %gather3A_414 : vector<16xf32>
        %sub3A_417 = arith.subf %add3A_416, %gather3A_413 : vector<16xf32>
        %add3A_418 = arith.constant 9.99999997E-7 : f32
        %add3A_419 = vector.broadcast %add3A_418 : f32 to vector<16xf32>
        %add3A_420 = arith.addf %sub3A_417, %add3A_419 : vector<16xf32>
        %mul3A_421 = arith.mulf %gather3A, %gather3A_415 : vector<16xf32>
        %add3A_422 = arith.addf %scan3A_404, %mul3A_421 : vector<16xf32>
        %mul3A_423 = arith.mulf %gather3A_413, %gather3A_415 : vector<16xf32>
        %add3A_424 = arith.addf %scan3A_405, %mul3A_423 : vector<16xf32>
        %mul3A_425 = arith.mulf %add3A_420, %add3A_420 : vector<16xf32>
        %add3A_426 = arith.addf %scan3A_406, %mul3A_425 : vector<16xf32>
        %mul3A_427 = arith.mulf %add3A_420, %gather3A_415 : vector<16xf32>
        %add3A_428 = arith.addf %scan3A_407, %mul3A_427 : vector<16xf32>
        %mul3A_429 = arith.mulf %gather3A_415, %gather3A_415 : vector<16xf32>
        %add3A_430 = arith.addf %scan3A_408, %mul3A_429 : vector<16xf32>
        scf.yield %add3A_422, %add3A_424, %add3A_426, %add3A_428, %add3A_430 : vector<16xf32>, vector<16xf32>, vector<16xf32>, vector<16xf32>, vector<16xf32>
      }
      %scan3A_388 = arith.constant 64 : i32
      %sub3A = arith.subf %scan3A_387#0, %scan3A_387#1 : vector<16xf32>
      %mul3A_389 = arith.constant 2.000000e+00 : f32
      %mul3A_390 = vector.broadcast %mul3A_389 : f32 to vector<16xf32>
      %mul3A_391 = arith.mulf %mul3A_390, %sub3A : vector<16xf32>
      %mul3A_392 = arith.mulf %mul3A_391, %scan3A_387#3 : vector<16xf32>
      %sub3A_393 = arith.subf %scan3A_387#2, %mul3A_392 : vector<16xf32>
      %mul3A_394 = arith.mulf %sub3A, %sub3A : vector<16xf32>
      %mul3A_395 = arith.mulf %mul3A_394, %scan3A_387#4 : vector<16xf32>
      %add3A_396 = arith.addf %sub3A_393, %mul3A_395 : vector<16xf32>
      %mul3A_397 = arith.constant 16 : i32
      %mul3A_398 = arith.muli %scan3A_376, %mul3A_397 : i32
      %add3A_399 = arith.constant 896 : i32
      %add3A_400 = arith.addi %add3A_399, %mul3A_398 : i32
      %swap3A = arith.index_cast %add3A_400 : i32 to index
      %swap3A_401 = tpu.vector_load %arg16[%swap3A] {strides = array<i32>} : memref<1024xf32, #tpu.memory_space<vmem>>, vector<16xf32>,
      tpu.vector_store %arg16[%swap3A], %add3A_396 {strides = array<i32>} : memref<1024xf32, #tpu.memory_space<vmem>>, vector<16xf32>,
      %scan3A_402 = arith.constant 0 : i32
      scf.yield %scan3A_402 : i32
    }
    %scan3A_375 = arith.constant 8 : i32
    "tpu.region"() ({
      %run_scoped3A = tpu.sem_alloc : memref<!tpu.dma_semaphore, #tpu.memory_space<semaphore_mem>>
      %dma_start3A_376 = tpu.memref_slice %arg8[%mul3A_2] : memref<32768xf32, #tpu.memory_space<hbm>> -> memref<1024xf32, #tpu.memory_space<hbm>>
      %dma_start3A_377 = tpu.memref_slice %arg8[%mul3A_2] : memref<32768xf32, #tpu.memory_space<hbm>> -> memref<1024xf32, #tpu.memory_space<hbm>>
      tpu.enqueue_dma source(%arg16 : memref<1024xf32, #tpu.memory_space<vmem>>) target(%dma_start3A_377 : memref<1024xf32, #tpu.memory_space<hbm>>) target_semaphore(%run_scoped3A : memref<!tpu.dma_semaphore, #tpu.memory_space<semaphore_mem>>)
      %dma_wait3A_378 = tpu.memref_slice %arg8[%mul3A_2] : memref<32768xf32, #tpu.memory_space<hbm>> -> memref<1024xf32, #tpu.memory_space<hbm>>
      %dma_wait3A_379 = tpu.memref_slice %arg8[%mul3A_2] : memref<32768xf32, #tpu.memory_space<hbm>> -> memref<1024xf32, #tpu.memory_space<hbm>>
      tpu.wait_dma2 semaphore(%run_scoped3A : memref<!tpu.dma_semaphore, #tpu.memory_space<semaphore_mem>>) src(%arg16 : memref<1024xf32, #tpu.memory_space<vmem>>) dst(%dma_wait3A_379 : memref<1024xf32, #tpu.memory_space<hbm>>)
      tpu.yield
    }) : () -> ()
    return
  }
}

module attributes {stable_mosaic.version = 14 : i64} {
  func.func @body(%arg0: i32, %arg1: memref<8000x64xf32, #tpu.memory_space<vmem>>, %arg2: memref<1000x64xf32, #tpu.memory_space<vmem>>, %arg3: memref<1000x64xf32, #tpu.memory_space<vmem>>, %arg4: memref<1x1xf32, #tpu.memory_space<smem>>, %arg5: memref<1x1xf32, #tpu.memory_space<smem>>, %arg6: memref<1xf32, #tpu.memory_space<smem>>) attributes {dimension_semantics = [#tpu.dimension_semantics<arbitrary>], iteration_bounds = array<i64: 125>, scalar_prefetch = 0 : i64, scratch_operands = 1 : i64, tpu.core_type = #tpu.core_type<tc>, window_params = [{transform_indices = @transform_0, window_bounds = array<i64: 8000, 64>}, {pipeline_mode = #tpu.pipeline_mode<synchronous>, transform_indices = @transform_1, window_bounds = array<i64: 1000, 64>}, {pipeline_mode = #tpu.pipeline_mode<synchronous>, transform_indices = @transform_2, window_bounds = array<i64: 1000, 64>}, {transform_indices = @transform_3, window_bounds = array<i64: 1, 1>}, {transform_indices = @transform_4, window_bounds = array<i64: 1, 1>}]} {
    %eq3A = arith.constant 0 : i32
    %eq3A_0 = arith.cmpi eq, %arg0, %eq3A : i32
    %convert_element_type3A = arith.extui %eq3A_0 : i1 to i32
    %cond3A = arith.constant 0 : i32
    %cond3A_1 = arith.cmpi ne, %convert_element_type3A, %cond3A : i32
    scf.if %cond3A_1 {
      %get3A_22 = arith.constant 0 : index
      %get3A_23 = arith.constant 0 : index
      %get3A_24 = vector.load %arg2[%get3A_22, %get3A_23] : memref<1000x64xf32, #tpu.memory_space<vmem>>, vector<1000x64xf32>
      %get3A_25 = arith.constant 0 : index
      %get3A_26 = arith.constant 0 : index
      %get3A_27 = vector.load %arg3[%get3A_25, %get3A_26] : memref<1000x64xf32, #tpu.memory_space<vmem>>, vector<1000x64xf32>
      %mul3A_28 = arith.mulf %get3A_24, %get3A_24 : vector<1000x64xf32>
      %reduce_sum3A_29 = arith.constant dense<0.000000e+00> : vector<1000xf32>
      %reduce_sum3A_30 = vector.multi_reduction <add>, %mul3A_28, %reduce_sum3A_29 [1] : vector<1000x64xf32> to vector<1000xf32>
      %sqrt3A_31 = math.sqrt %reduce_sum3A_30 : vector<1000xf32>
      %mul3A_32 = arith.mulf %get3A_27, %get3A_24 : vector<1000x64xf32>
      %reduce_sum3A_33 = arith.constant dense<0.000000e+00> : vector<1000xf32>
      %reduce_sum3A_34 = vector.multi_reduction <add>, %mul3A_32, %reduce_sum3A_33 [1] : vector<1000x64xf32> to vector<1000xf32>
      %div3A = arith.divf %reduce_sum3A_34, %sqrt3A_31 : vector<1000xf32>
      %sub3A_35 = arith.constant 9.99999997E-7 : f32
      %sub3A_36 = vector.broadcast %sub3A_35 : f32 to vector<1000xf32>
      %sub3A_37 = arith.subf %div3A, %sub3A_36 : vector<1000xf32>
      %max3A_38 = arith.constant 0.000000e+00 : f32
      %max3A_39 = vector.broadcast %max3A_38 : f32 to vector<1000xf32>
      %max3A_40 = arith.maximumf %sub3A_37, %max3A_39 : vector<1000xf32>
      %reduce_sum3A_41 = vector.shape_cast %max3A_40 : vector<1000xf32> to vector<1x1000xf32>
      %reduce_sum3A_42 = arith.constant dense<0.000000e+00> : vector<1xf32>
      %reduce_sum3A_43 = vector.multi_reduction <add>, %reduce_sum3A_41, %reduce_sum3A_42 [1] : vector<1x1000xf32> to vector<1xf32>
      %reduce_sum3A_44 = vector.shape_cast %reduce_sum3A_43 : vector<1xf32> to vector<1x1xf32>
      %reduce_sum3A_45 = vector.extract %reduce_sum3A_44[0, 0] : f32 from vector<1x1xf32>
      %swap3A_46 = arith.constant 0 : index
      %swap3A_47 = arith.constant 0 : index
      %swap3A_48 = memref.load %arg5[%swap3A_46, %swap3A_47] : memref<1x1xf32, #tpu.memory_space<smem>>
      memref.store %reduce_sum3A_45, %arg5[%swap3A_46, %swap3A_47] : memref<1x1xf32, #tpu.memory_space<smem>>
      %swap3A_49 = arith.constant 0.000000e+00 : f32
      %swap3A_50 = arith.constant 0 : index
      %swap3A_51 = memref.load %arg6[%swap3A_50] : memref<1xf32, #tpu.memory_space<smem>>
      memref.store %swap3A_49, %arg6[%swap3A_50] : memref<1xf32, #tpu.memory_space<smem>>
    } else {
    }
    %get3A = arith.constant 0 : index
    %get3A_2 = arith.constant 0 : index
    %get3A_3 = vector.load %arg1[%get3A, %get3A_2] : memref<8000x64xf32, #tpu.memory_space<vmem>>, vector<8000x64xf32>
    %mul3A = arith.mulf %get3A_3, %get3A_3 : vector<8000x64xf32>
    %reduce_sum3A = arith.constant dense<0.000000e+00> : vector<8000xf32>
    %reduce_sum3A_4 = vector.multi_reduction <add>, %mul3A, %reduce_sum3A [1] : vector<8000x64xf32> to vector<8000xf32>
    %sqrt3A = math.sqrt %reduce_sum3A_4 : vector<8000xf32>
    %get3A_5 = arith.constant 0 : index
    %get3A_6 = memref.load %arg6[%get3A_5] : memref<1xf32, #tpu.memory_space<smem>>
    %sub3A = arith.constant 1.000000e+00 : f32
    %sub3A_7 = vector.broadcast %sub3A : f32 to vector<8000xf32>
    %sub3A_8 = arith.subf %sqrt3A, %sub3A_7 : vector<8000xf32>
    %max3A = arith.constant 0.000000e+00 : f32
    %max3A_9 = vector.broadcast %max3A : f32 to vector<8000xf32>
    %max3A_10 = arith.maximumf %sub3A_8, %max3A_9 : vector<8000xf32>
    %reduce_sum3A_11 = vector.shape_cast %max3A_10 : vector<8000xf32> to vector<1x8000xf32>
    %reduce_sum3A_12 = arith.constant dense<0.000000e+00> : vector<1xf32>
    %reduce_sum3A_13 = vector.multi_reduction <add>, %reduce_sum3A_11, %reduce_sum3A_12 [1] : vector<1x8000xf32> to vector<1xf32>
    %reduce_sum3A_14 = vector.shape_cast %reduce_sum3A_13 : vector<1xf32> to vector<1x1xf32>
    %reduce_sum3A_15 = vector.extract %reduce_sum3A_14[0, 0] : f32 from vector<1x1xf32>
    %add3A = arith.addf %get3A_6, %reduce_sum3A_15 : f32
    %swap3A = arith.constant 0 : index
    %swap3A_16 = memref.load %arg6[%swap3A] : memref<1xf32, #tpu.memory_space<smem>>
    memref.store %add3A, %arg6[%swap3A] : memref<1xf32, #tpu.memory_space<smem>>
    %eq3A_17 = arith.constant 124 : i32
    %eq3A_18 = arith.cmpi eq, %arg0, %eq3A_17 : i32
    %convert_element_type3A_19 = arith.extui %eq3A_18 : i1 to i32
    %cond3A_20 = arith.constant 0 : i32
    %cond3A_21 = arith.cmpi ne, %convert_element_type3A_19, %cond3A_20 : i32
    scf.if %cond3A_21 {
      %get3A_22 = arith.constant 0 : index
      %get3A_23 = memref.load %arg6[%get3A_22] : memref<1xf32, #tpu.memory_space<smem>>
      %swap3A_24 = arith.constant 0 : index
      %swap3A_25 = arith.constant 0 : index
      %swap3A_26 = memref.load %arg4[%swap3A_24, %swap3A_25] : memref<1x1xf32, #tpu.memory_space<smem>>
      memref.store %get3A_23, %arg4[%swap3A_24, %swap3A_25] : memref<1x1xf32, #tpu.memory_space<smem>>
    } else {
    }
    return
  }
  func.func @transform_0(%arg0: i32) -> (i32, i32) {
    %c0_i32 = arith.constant 0 : i32
    %c0_i32_0 = arith.constant 0 : i32
    return %arg0, %c0_i32 : i32, i32
  }
  func.func @transform_1(%arg0: i32) -> (i32, i32) {
    %c0_i32 = arith.constant 0 : i32
    %c0_i32_0 = arith.constant 0 : i32
    %c0_i32_1 = arith.constant 0 : i32
    return %c0_i32, %c0_i32_0 : i32, i32
  }
  func.func @transform_2(%arg0: i32) -> (i32, i32) {
    %c0_i32 = arith.constant 0 : i32
    %c0_i32_0 = arith.constant 0 : i32
    %c0_i32_1 = arith.constant 0 : i32
    return %c0_i32, %c0_i32_0 : i32, i32
  }
  func.func @transform_3(%arg0: i32) -> (i32, i32) {
    %c0_i32 = arith.constant 0 : i32
    %c0_i32_0 = arith.constant 0 : i32
    %c0_i32_1 = arith.constant 0 : i32
    return %c0_i32, %c0_i32_0 : i32, i32
  }
  func.func @transform_4(%arg0: i32) -> (i32, i32) {
    %c0_i32 = arith.constant 0 : i32
    %c0_i32_0 = arith.constant 0 : i32
    %c0_i32_1 = arith.constant 0 : i32
    return %c0_i32, %c0_i32_0 : i32, i32
  }
}

module attributes {stable_mosaic.version = 14 : i64} {
  func.func @body(%arg0: memref<128x128xf32, #tpu.memory_space<vmem>>, %arg1: memref<128x128xf32, #tpu.memory_space<vmem>>, %arg2: memref<1x1xf32, #tpu.memory_space<smem>>, %arg3: memref<1x1xf32, #tpu.memory_space<smem>>, %arg4: memref<1x1xf32, #tpu.memory_space<smem>>) attributes {dimension_semantics = [], scalar_prefetch = 0 : i64, scratch_operands = 0 : i64, tpu.core_type = #tpu.core_type<tc>} {
    %get3A = arith.constant 0 : index
    %get3A_0 = arith.constant 0 : index
    %get3A_1 = vector.load %arg0[%get3A, %get3A_0] : memref<128x128xf32, #tpu.memory_space<vmem>>, vector<128x128xf32>
    %sqrt3A = math.sqrt %get3A_1 : vector<128x128xf32>
    %get3A_2 = arith.constant 0 : index
    %get3A_3 = arith.constant 0 : index
    %get3A_4 = vector.load %arg1[%get3A_2, %get3A_3] : memref<128x128xf32, #tpu.memory_space<vmem>>, vector<128x128xf32>
    %sqrt3A_5 = math.sqrt %get3A_4 : vector<128x128xf32>
    %sub3A = arith.subf %sqrt3A, %sqrt3A_5 : vector<128x128xf32>
    %add3A = arith.constant 1.000000e+00 : f32
    %add3A_6 = vector.broadcast %add3A : f32 to vector<128x128xf32>
    %add3A_7 = arith.addf %sub3A, %add3A_6 : vector<128x128xf32>
    %max3A = arith.constant 0.000000e+00 : f32
    %max3A_8 = vector.broadcast %max3A : f32 to vector<128x128xf32>
    %max3A_9 = arith.maximumf %add3A_7, %max3A_8 : vector<128x128xf32>
    %reduce_sum3A = vector.shape_cast %max3A_9 : vector<128x128xf32> to vector<1x128x128xf32>
    %reduce_sum3A_10 = arith.constant dense<0.000000e+00> : vector<1xf32>
    %reduce_sum3A_11 = vector.multi_reduction <add>, %reduce_sum3A, %reduce_sum3A_10 [1, 2] : vector<1x128x128xf32> to vector<1xf32>
    %reduce_sum3A_12 = vector.shape_cast %reduce_sum3A_11 : vector<1xf32> to vector<1x1x1xf32>
    %reduce_sum3A_13 = vector.extract %reduce_sum3A_12[0, 0, 0] : f32 from vector<1x1x1xf32>
    %div3A = arith.constant 1.638400e+04 : f32
    %div3A_14 = arith.divf %reduce_sum3A_13, %div3A : f32
    %get3A_15 = arith.constant 0 : index
    %get3A_16 = arith.constant 0 : index
    %get3A_17 = memref.load %arg2[%get3A_15, %get3A_16] : memref<1x1xf32, #tpu.memory_space<smem>>
    %div3A_18 = arith.constant 1.000000e+06 : f32
    %div3A_19 = arith.divf %get3A_17, %div3A_18 : f32
    %get3A_20 = arith.constant 0 : index
    %get3A_21 = arith.constant 0 : index
    %get3A_22 = memref.load %arg3[%get3A_20, %get3A_21] : memref<1x1xf32, #tpu.memory_space<smem>>
    %div3A_23 = arith.constant 1.000000e+03 : f32
    %div3A_24 = arith.divf %get3A_22, %div3A_23 : f32
    %add3A_25 = arith.addf %div3A_19, %div3A_24 : f32
    %mul3A = arith.constant 1.000000e+00 : f32
    %mul3A_26 = arith.mulf %mul3A, %add3A_25 : f32
    %add3A_27 = arith.addf %div3A_14, %mul3A_26 : f32
    %swap3A = arith.constant 0 : index
    %swap3A_28 = arith.constant 0 : index
    %swap3A_29 = memref.load %arg4[%swap3A, %swap3A_28] : memref<1x1xf32, #tpu.memory_space<smem>>
    memref.store %add3A_27, %arg4[%swap3A, %swap3A_28] : memref<1x1xf32, #tpu.memory_space<smem>>
    return
  }
}

</mosaic_0001>

<sc_bundles>
// kernel: kernel.5.cloned.1.call-start
scs
__scs_entry_jumppad:
0x0: {  	(pc) =	sbr.rel $0x88, $3  }
0x1: {  	(tag) =	ssettag $0x0;
	lr =	simm.s32 $0x1  }
0x2: {  	[smem:$0x3F9C] =	sst lr;
	_ =	strace $0xD0000000  }
0x3: {  	_ = 	snop  }
0x4: {  	_ = 	snop  }
0x5: {  	_ = 	snop  }
0x6: {  	_ = 	snop  }
0x7: {  	_ = 	snop  }
__scs_overlays_trampoline_lowered:
0x8: {  	[smem:$0x3FAB] =	sst s0  }
0x9: {  	[smem:$0x3FAC] =	sst s1  }
0xa: {  	[smem:$0x3FAD] =	sst s2  }
0xb: {  	[smem:$0x3FAE] =	sst s3  }
0xc: {  	[smem:$0x3FAF] =	sst s4  }
0xd: {  	[smem:$0x3FB0] =	sst s5  }
0xe: {  	[smem:$0x3FB1] =	sst s6  }
0xf: {  	[smem:$0x3FB2] =	sst s7  }
0x10: {  	[smem:$0x3FB3] =	sst s8  }
0x11: {  	[smem:$0x3FB4] =	sst s9;
	s0 =	simm.s32 @!p0 $0x0  }
0x12: {  	s1 =	sld [smem:$0x3F9A];
	s0 =	simm.s32 @p0 $0x1  }
0x13: {  	[smem:$0x3FB5] =	sst s0;
	s0 =	simm.s32 @!p1 $0x0  }
0x14: {  	s2 =	sld [smem:$0x3F99];
	s0 =	simm.s32 @p1 $0x1  }
0x15: {  	[smem:$0x3FB6] =	sst s0;
	s0 =	simm.s32 @!p2 $0x0  }
0x16: {  	s3 =	sld [smem:$0x3FDB];
	s0 =	simm.s32 @p2 $0x1  }
0x17: {  	s4 =	simm.s32 $0x1BF5;
	[smem:$0x3FB8] =	sst s0  }
0x18: {  	s0 =	sld [smem:$0x3F9B];
	_ =	swait.ge [sflag:s4], $0x0  }
0x19: {  	s7 =	sld [smem:$0x3F9C]  }
0x1a: {  	s8 =	sadd.s32 $0xFFFFE003, lr  }
0x1b: {  	s9 =	sadd.s32 $0xFFFFFEF7, lr;
	s5 =	simm.s32 $0xFFFFFFFF;
	p2 =	slt.u32 s8, $0xFFFFF086  }
0x1c: {  	p1 =	slt.u32 s9, $0xF7A;
	s5 =	simm.s32 @!p2 $0x0  }
0x1d: {  	s5 =	simm.s32 @p1 $0x1;
	p0 =	seq.s32 s7, s2  }
0x1e: {  	s7 =	smul.u32 @!p0 $0xF7A, s2;
	p2 =	seq.s32 @!p0 s5, $0x0  }
0x1f: {  	s9 =	smul.u32 $0xF7A, s1;
	s8 =	simm.s32 @!p0 $0x1BF5;
	p2 =	por !p2, p0  }
0x20: {  	[sflag:s8] =	ssyncset.s32 @!p0 $0xFFFFF086;
	s6 =	sadd.s32 @!p0 s3, s7;
	s7 =	simm.s32 @!p0 $0x108  }
0x21: {  	s3 =	sadd.s32 s3, s9;
	s6 =	sadd.s32 @!p0 $0x88, s6;
	s7 =	simm.s32 @p2 $0x1082  }
0x22: {  	[simem:s7], [sflag:s8] =	dma.local @!p0 [hbm:s6], $0xF7A  }
0x23: {  	s9 =	sor.u32 $0xD0000000, s2;
	s6 =	simm.s32 $0x108;
	_ =	swait.ge @!p0 [sflag:s8], $0x0  }
0x24: {  	s3 =	sadd.s32 $0x88, s3;
	s6 =	simm.s32 @!p1 $0x1082;
	[sflag:s4] =	ssyncset.s32 $0xFFFFF086  }
0x25: {  	[simem:s6], [sflag:s4] =	dma.local [hbm:s3], $0xF7A  }
0x26: {  	[smem:$0x3F9C] =	sst s1;
	(tag) =	ssettag s2;
	_ =	strace s9  }
0x27: {  	s1 =	sld [smem:$0x3FAC]  }
0x28: {  	s2 =	sld [smem:$0x3FAD]  }
0x29: {  	s4 =	sld [smem:$0x3FAF]  }
0x2a: {  	p0 =	seq.s32 s5, $0x0;
	s5 =	sld [smem:$0x3FB0]  }
0x2b: {  	s6 =	sld [smem:$0x3FB1]  }
0x2c: {  	s7 =	sld [smem:$0x3FB2]  }
0x2d: {  	s3 =	simm.s32 $0x108;
	s8 =	sld [smem:$0x3FB3]  }
0x2e: {  	s3 =	simm.s32 @!p0 $0x1082;
	s9 =	sld [smem:$0x3FB4]  }
0x2f: {  	lr =	sadd.s32 s0, s3;
	s0 =	sld [smem:$0x3FAB]  }
0x30: {  	s3 =	sld [smem:$0x3FAE]  }
0x31: {  	[smem:$0x3FB7] =	sst s10  }
0x32: {  	s10 =	sld [smem:$0x3FB5];
	_ =	sdelay $0x3  }
0x33: {  	p0 =	seq.s32 s10, $0x1;
	s10 =	sld [smem:$0x3FB7];
	_ =	sdelay $0x3  }
0x34: {  	[smem:$0x3FB7] =	sst s10  }
0x35: {  	s10 =	sld [smem:$0x3FB6];
	_ =	sdelay $0x3  }
0x36: {  	p1 =	seq.s32 s10, $0x1;
	s10 =	sld [smem:$0x3FB7];
	_ =	sdelay $0x3  }
0x37: {  	[smem:$0x3FB7] =	sst s10  }
0x38: {  	s10 =	sld [smem:$0x3FB8]  }
0x39: {  	_ = 	snop;
	(pc) =	sbr.ind lr, $3  }
0x3a: {  	_ = 	snop  }
0x3b: {  	_ = 	snop  }
0x3c: {  	p2 =	seq.s32 s10, $0x1;
	s10 =	sld [smem:$0x3FB7]  }
0x3d: {  	_ =	shalt  }
0x3e: {  	_ =	shalt  }
0x3f: {  	_ =	shalt  }
0x40: {  	_ =	shalt  }
0x41: {  	_ =	shalt  }
0x42: {  	_ =	shalt  }
0x43: {  	_ =	shalt  }
0x44: {  	_ =	shalt  }
0x45: {  	_ =	shalt  }
0x46: {  	_ =	shalt  }
0x47: {  	_ =	shalt  }
0x48: {  	_ =	shalt  }
0x49: {  	_ =	shalt  }
0x4a: {  	_ =	shalt  }
0x4b: {  	_ =	shalt  }
0x4c: {  	_ =	shalt  }
0x4d: {  	_ =	shalt  }
0x4e: {  	_ =	shalt  }
0x4f: {  	_ =	shalt  }
0x50: {  	_ =	shalt  }
0x51: {  	_ =	shalt  }
0x52: {  	_ =	shalt  }
0x53: {  	_ =	shalt  }
0x54: {  	_ =	shalt  }
0x55: {  	_ =	shalt  }
0x56: {  	_ =	shalt  }
0x57: {  	_ =	shalt  }
0x58: {  	_ =	shalt  }
0x59: {  	_ =	shalt  }
0x5a: {  	_ =	shalt  }
0x5b: {  	_ =	shalt  }
0x5c: {  	_ =	shalt  }
0x5d: {  	_ =	shalt  }
0x5e: {  	_ =	shalt  }
0x5f: {  	_ =	shalt  }
0x60: {  	_ =	shalt  }
0x61: {  	_ =	shalt  }
0x62: {  	_ =	shalt  }
0x63: {  	_ =	shalt  }
0x64: {  	_ =	shalt  }
0x65: {  	_ =	shalt  }
0x66: {  	_ =	shalt  }
0x67: {  	_ =	shalt  }
0x68: {  	_ =	shalt  }
0x69: {  	_ =	shalt  }
0x6a: {  	_ =	shalt  }
0x6b: {  	_ =	shalt  }
0x6c: {  	_ =	shalt  }
0x6d: {  	_ =	shalt  }
0x6e: {  	_ =	shalt  }
0x6f: {  	_ =	shalt  }
0x70: {  	_ =	shalt  }
0x71: {  	_ =	shalt  }
0x72: {  	_ =	shalt  }
0x73: {  	_ =	shalt  }
0x74: {  	_ =	shalt  }
0x75: {  	_ =	shalt  }
0x76: {  	_ =	shalt  }
0x77: {  	_ =	shalt  }
0x78: {  	_ =	shalt  }
0x79: {  	_ =	shalt  }
0x7a: {  	_ =	shalt  }
0x7b: {  	_ =	shalt  }
0x7c: {  	_ =	shalt  }
0x7d: {  	_ =	shalt  }
0x7e: {  	_ =	shalt  }
0x7f: {  	_ =	shalt  }
0x80: {  	_ =	shalt  }
0x81: {  	_ =	shalt  }
0x82: {  	_ =	shalt  }
0x83: {  	_ =	shalt  }
0x84: {  	_ =	shalt  }
0x85: {  	_ =	shalt  }
0x86: {  	_ =	shalt  }
0x87: {  	_ =	shalt  }
.Lfunc_end0:
.L_simem_size_0:
called_computation_lowered:
.L_overlay_start_0:
0x88: {  	s2 =	sld [smem:$0x3FD9]  }
0x89: {  	s3 =	sld [smem:$0x3FFE];
	_ =	sdelay $0x1  }
0x8a: {  	s1 =	srdreg.scid  }
0x8b: {  	s0 =	sand.u32 $0x1, s1  }
0x8c: {  	s16 =	sshll.u32 s0, $0xA;
	s2 =	sadd.s32 s3, s2  }
0x8d: {  	s2 =	sadd.s32 s2, s16  }
0x8e: {  	[smem:$0x3FC3] =	sst s2  }
0x8f: {  	_ = 	snop  }
0x90: {  	(tm) =	ssettm $0x1  }
0x91: {  	s17 =	sld [smem:$0x3FFB];
	_ =	sdelay $0x3  }
0x92: {  	_ =	strace s17  }
0x93: {  	s2 =	sld [smem:$0x3FFC];
	_ =	sdelay $0x3  }
0x94: {  	_ =	strace s2  }
0x95: {  	s2 =	sld [smem:$0x3FFD];
	_ =	sdelay $0x3  }
0x96: {  	_ =	strace s2  }
0x97: {  	_ =	strace $0x8FFFFFFF  }
0x98: {  	s18 =	sld [smem:$0x3FDB];
	_ =	sdelay $0x1  }
0x99: {  	s19 =	simm.s32 $_scs_section_size  }
0x9a: {  	s4 =	simm.s32 $_size__tile_overlayer_lowered;
	s5 =	simm.s32 $_tile_overlayer_lowered  }
0x9b: {  	s22 =	simm.s32 $0x1BFF;
	s21 =	sshll.u32 s5, $0x1;
	s2 =	sadd.s32 s19, s18  }
0x9c: {  	s6 =	simm.s32 $0x0;
	s20 =	sshll.u32 s4, $0x1;
	s4 =	sadd.s32 s21, s2  }
0x9d: {  	[timem:s6], [sflag:s22] =	dma.local [hbm:s4], s20  }
0x9e: {  	_ =	swait.ge [sflag:s22], s20  }
0x9f: {  	s3 =	ssub.s32 $0x0, s20;
	[sflag:s22] =	ssyncset.done $0x0  }
0xa0: {  	[sflag:s22] =	ssyncadd.s32 s3;
	_ =	sdelay $0x1  }
0xa1: {  	s23 =	simm.s32 $0x1B8B  }
0xa2: {  	_ =	swait.ge [sflag:s23], $0x1  }
0xa3: {  	[sflag:s23] =	ssyncset.done $0x0  }
0xa4: {  	s25 =	simm.s32 $0x1B8E;
	s24 =	sld [smem:$0x3FFE];
	[sflag:s23] =	ssyncadd.s32 $0xFFFFFFFF  }
0xa5: {  	s26 =	simm.s32 $execute0_lowered;
	[smem:$0x3FD2] =	sst s25  }
0xa6: {  	s4 =	sshll.u32 s26, $0x1;
	_ =	strace $0x80000046;
	[dreg:$0x1] =	wrdreg $0xFFFFFFFF  }
0xa7: {  	s28 =	simm.s32 $_size_execute0_lowered;
	s2 =	sadd.s32 s2, s4;
	[dreg:$0x0] =	wrdreg $0x0  }
0xa8: {  	s4 =	sshll.u32 s28, $0x1;
	[dreg:$0x2] =	wrdreg s2  }
0xa9: {  	[dreg:$0x3] =	wrdreg s4  }
0xaa: {  	[dreg:$0x4] =	wrdreg $0xC0  }
0xab: {  	_ =	task [dreg:s6], $0x5FFFF  }
0xac: {  	[dreg:$0x1] =	wrdreg $0xFFFFFFFF  }
0xad: {  	[dreg:$0x0] =	wrdreg $0x60  }
0xae: {  	[dreg:$0x2] =	wrdreg s24  }
0xaf: {  	[dreg:$0x3] =	wrdreg $0x9  }
0xb0: {  	_ =	task.clear_ibuf [dreg:s6], $0x4FFFF;
	_ =	strace $0x90000046  }
0xb1: {  	s29 =	simm.s32 $0x9;
	_ =	strace $0x80000048  }
0xb2: {  	_ =	swait.ge [sflag:s29], $0x1  }
0xb3: {  	[sflag:s29] =	ssyncadd.s32 $0xFFFFFFFF  }
0xb4: {  	_ =	strace $0x90000048  }
0xb5: {  	_ =	sfence  }
0xb6: {  	s30 =	sld [smem:$0x0];
	_ =	sdelay $0x2  }
0xb7: {  	s31 =	sshll.u32 s1, $0xD;
	s1 =	sshrl.u32 s1, $0x2  }
0xb8: {  	s3 =	sand.u32 $0x4000, s31;
	s1 =	sadd.s32 s1, s30  }
0xb9: {  	s0 =	sor.u32 s3, s0;
	s1 =	sshll.u32 s1, $0x11  }
0xba: {  	s0 =	sor.u32 s1, s0  }
0xbb: {  	s0 =	sadd.s32 $0x8F2B, s0  }
0xbc: {  	[sflag:s0] =	ssyncadd.remote.s32 $0x1  }
0xbd: {  	_ =	sfence.sel $0xFFFF  }
0xbe: {  	[dreg:$0x0] =	wrdreg $0xFFFFFFFF;
	(pc) =	sbr.abs _section_cstart, $3  }
0xbf: {  	[dreg:$0x1] =	wrdreg $0xFFFFFFFF  }
0xc0: {  	_ =	task.clear_ibuf [dreg:s6], $0x2FFFF;
	_ =	strace $0x9FFFFFFF  }
0xc1: {  	(tm) =	ssettm $0x7FFFFFFF  }
tec
execute0_lowered:
.L_overlay_start_1:
0x0: {  	(tag) =	ssettag $0x1  }
0x1: {  	s0 =	rddreg [dreg:$0x0]  }
0x2: {  	s1 =	simm.s32 $0x0;
	s2 =	srdreg.scid;
	s4 =	stileid.u32  }
0x3: {  	s11 =	simm.s32 $0x2;
	s12 =	simm.s32 $0x400;
	s13 =	simm.s32 $0x800  }
0x4: {  	s14 =	simm.s32 $0x80;
	s15 =	simm.s32 $0xC00;
	s16 =	simm.s32 $0x2C00  }
0x5: {  	s17 =	simm.s32 $0x4C00;
	s18 =	simm.s32 $0x6C00;
	s19 =	simm.s32 $0x1  }
0x6: {  	s21 =	simm.s32 $0x480;
	s24 =	simm.s32 $0x500;
	s28 =	simm.s32 $0x580  }
0x7: {  	s31 =	simm.s32 $0x600;
	s20 =	simm.s32 $0x680;
	s25 =	simm.s32 $0x700  }
0x8: {  	s30 =	simm.s32 $0x780;
	[smem:$0x7FF] =	sst s1;
	s2 =	sand.u32 $0x1, s2  }
0x9: {  	s3 =	sadd.s32 $0xF52400, s0;
	s5 =	sshll.u32 s4, $0x8;
	s6 =	sshll.u32 s2, $0x7  }
0xa: {  	s4 =	sadd.s32 $0x5000, s0;
	s2 =	ssub.s32 $0x2, s2;
	s6 =	sor.u32 s6, s5  }
0xb: {  	s7 =	sshrl.u32 s2, $0x1;
	s5 =	sadd.s32 $0xB000, s0;
	s0 =	sadd.s32 s6, s0  }
0xc: {  	_ =	strace $0x80000047;
	s2 =	ssub.s32 s2, s7;
	s6 =	sadd.s32 $0xF000, s0  }
0xd: {  	v0 =	vlaneseq.u32;
	s7 =	sadd.s32 $0xE000, s0;
	s8 =	sadd.s32 $0xD000, s0;
	s9 =	sadd.s32 $0x16F3600, s0  }
0xe: {  	v0 =	vmul.u32 $0x40, v0;
	s10 =	smax.u32 s2, $0x1;
	s0 =	simm.s32 $0x8C00;
	s2 =	simm.s32 $0x0  }
.LBB2_1:
0xf: {  	[tilespmem:s1], [sflag:$0x2] =	stream.linear.gather [hbm4b:s6+s1], $0x400, $0x38;
	[tilespmem:$0x9000] =	vst v63  }
0x10: {  	_ =	swait.ge [sflag:s11], $0x400  }
0x11: {  	[sflag:s11] =	ssyncset.done $0x0  }
0x12: {  	[sflag:s11] =	ssyncadd.s32 $0xFFFFFC00  }
0x13: {  	[tilespmem:s12], [sflag:$0x2] =	stream.linear.gather [hbm4b:s7+s1], $0x400, $0x38;
	[tilespmem:$0x9000] =	vst v63  }
0x14: {  	_ =	swait.ge [sflag:s11], $0x400  }
0x15: {  	[sflag:s11] =	ssyncset.done $0x0  }
0x16: {  	[sflag:s11] =	ssyncadd.s32 $0xFFFFFC00  }
0x17: {  	[tilespmem:s13], [sflag:$0x2] =	stream.linear.gather [hbm4b:s8+s1], $0x400, $0x38;
	[tilespmem:$0x9000] =	vst v63  }
0x18: {  	_ =	swait.ge [sflag:s11], $0x400  }
0x19: {  	[sflag:s11] =	ssyncset.done $0x0  }
0x1a: {  	[sflag:s11] =	ssyncadd.s32 $0xFFFFFC00  }
0x1b: {  	[tilespmem:s15], [sflag:$0x1] =	stream.indirect.gather [hbm4b:s3+s14], $0x40, s1, s14, $0xb8;
	[tilespmem:$0x9000] =	vst v63  }
0x1c: {  	_ = 	snop  }
0x1d: {  	[tilespmem:s16], [sflag:$0x1] =	stream.indirect.gather [hbm4b:s3+s14], $0x40, s13, s14, $0xb8;
	[tilespmem:$0x9000] =	vst v63  }
0x1e: {  	_ = 	snop  }
0x1f: {  	[tilespmem:s17], [sflag:$0x1] =	stream.indirect.gather [hbm4b:s4+s14], $0x40, s12, s14, $0xb8;
	[tilespmem:$0x9000] =	vst v63  }
0x20: {  	_ = 	snop  }
0x21: {  	[tilespmem:s18], [sflag:$0x1] =	stream.indirect.gather [hbm4b:s5+s14], $0x40, s12, s14, $0xb8;
	[tilespmem:$0x9000] =	vst v63  }
0x22: {  	_ =	swait.ge [sflag:s19], $0x2000  }
0x23: {  	[sflag:s19] =	ssyncset.done $0x0  }
0x24: {  	[sflag:s19] =	ssyncadd.s32 $0xFFFFE000  }
0x25: {  	_ =	swait.ge [sflag:s19], $0x2000  }
0x26: {  	[sflag:s19] =	ssyncset.done $0x0  }
0x27: {  	[sflag:s19] =	ssyncadd.s32 $0xFFFFE000  }
0x28: {  	_ =	swait.ge [sflag:s19], $0x2000  }
0x29: {  	[sflag:s19] =	ssyncset.done $0x0  }
0x2a: {  	[sflag:s19] =	ssyncadd.s32 $0xFFFFE000  }
0x2b: {  	_ =	swait.ge [sflag:s19], $0x2000  }
0x2c: {  	[sflag:s19] =	ssyncset.done $0x0  }
0x2d: {  	s22 =	simm.s32 $0x0;
	[sflag:s19] =	ssyncadd.s32 $0xFFFFE000  }
.LBB2_2:
0x2e: {  	s26 =	simm.s32 $0x0  }
0x2f: {  	s23 =	sshll.u32 s22, $0x4;
	v1 =	vmov s26  }
0x30: {  	v2 =	vmov s23;
	v1 =	vand.u32 $0x3F, v1  }
0x31: {  	v2 =	vshll.u32 v2, $0x6;
	v3 =	vbroadcast v1, $0x0  }
0x32: {  	v1 =	vor.u32 v0, v2  }
0x33: {  	v2 =	vor.u32 v1, v3  }
0x34: {  	s29 =	simm.s32 $0x1  }
0x35: {  	v3 =	vmov s29  }
0x36: {  	v3 =	vand.u32 $0x3F, v3  }
0x37: {  	v3 =	vbroadcast v3, $0x0  }
0x38: {  	v4 =	vld.idx.msk [tilespmem:v2+s15+$0x0], $0xffff  }
0x39: {  	v6 =	vor.u32 v1, v3;
	v5 =	vld.idx.msk [tilespmem:v2+s17+$0x0], $0xffff  }
0x3a: {  	s29 =	simm.s32 $0x2  }
0x3b: {  	v3 =	vmov s29;
	v7 =	vld.idx.msk [tilespmem:v2+s16+$0x0], $0xffff  }
0x3c: {  	v3 =	vand.u32 $0x3F, v3;
	v8 =	vld.idx.msk [tilespmem:v2+s18+$0x0], $0xffff  }
0x3d: {  	v2 =	vbroadcast v3, $0x0  }
0x3e: {  	s29 =	simm.s32 $0x3;
	v3 =	vld.idx.msk [tilespmem:v6+s15+$0x0], $0xffff;
	v5 =	vadd.f32 v5, v4  }
0x3f: {  	v9 =	vor.u32 v1, v2;
	v2 =	vmov s29;
	v10 =	vld.idx.msk [tilespmem:v6+s17+$0x0], $0xffff  }
0x40: {  	v2 =	vand.u32 $0x3F, v2;
	v11 =	vsub.f32 v5, v7  }
0x41: {  	v12 =	vbroadcast v2, $0x0;
	v15 =	vmul.f32 v8, v7  }
0x42: {  	v14 =	vmul.f32 v8, v4;
	v5 =	vimm.f32 $0.0e+00;
	v7 =	vld.idx.msk [tilespmem:v6+s18+$0x0], $0xffff;
	v13 =	vadd.f32 $9.999999970e-07, v11  }
0x43: {  	v2 =	vld.idx.msk [tilespmem:v6+s16+$0x0], $0xffff;
	v6 =	vor.u32 v1, v12;
	v12 =	vimm.f32 $0.0e+00;
	v11 =	vmul.f32 v8, v8  }
0x44: {  	v4 =	vld.idx.msk [tilespmem:v9+s15+$0x0], $0xffff;
	v17 =	vadd.f32 v10, v3;
	v10 =	vadd.f32 v14, v5;
	v18 =	vmul.f32 v13, v8  }
0x45: {  	s26 =	simm.s32 $0x4;
	v14 =	vld.idx.msk [tilespmem:v9+s17+$0x0], $0xffff;
	v8 =	vadd.f32 v15, v5;
	v16 =	vmul.f32 v13, v13;
	v13 =	vimm.f32 $0.0e+00;
	v15 =	vmovc v9  }
.LBB2_3:
0x46: {  	_ = 	snop  }
0x47: {  	v19 =	vmov v7  }
0x48: {  	v17 =	vsub.f32 v17, v2;
	v5 =	vadd.f32 v18, v5;
	v18 =	vmovc v2;
	p0 =	sne.s32 s26, $0x3F;
	v7 =	vmov s26;
	v2 =	vld.idx.msk [tilespmem:v9+s16+$0x0], $0xffff;
	v9 =	vmovc v6  }
.Ltmp0:
0x49: {  	v13 =	vadd.f32 v11, v13;
	s26 =	sadd.s32 $0x1, s26;
	v12 =	vadd.f32 v16, v12;
	v7 =	vand.u32 $0x3F, v7;
	(pc) =	sbr.rel @p0 .LBB2_3-.Ltmp0, $4  }
0x4a: {  	v20 =	vadd.f32 $9.999999970e-07, v17;
	v21 =	vmul.f32 v19, v3;
	v22 =	vmovc v19;
	v16 =	vbroadcast v7, $0x0;
	v7 =	vld.idx.msk [tilespmem:v15+s18+$0x0], $0xffff;
	v15 =	vmovc v6  }
0x4b: {  	v3 =	vmov v4;
	v23 =	vmul.f32 v22, v18;
	v11 =	vmul.f32 v19, v22;
	v4 =	vld.idx.msk [tilespmem:v6+s15+$0x0], $0xffff  }
0x4c: {  	v17 =	vadd.f32 v14, v3;
	v18 =	vmul.f32 v20, v22;
	v14 =	vld.idx.msk [tilespmem:v6+s17+$0x0], $0xffff;
	v6 =	vor.u32 v1, v16  }
0x4d: {  	v10 =	vadd.f32 v21, v10;
	v8 =	vadd.f32 v23, v8;
	v16 =	vmul.f32 v20, v20  }
0x4e: {  	_ =	sdelay $0x3  }
0x4f: {  	v1 =	vld.idx.msk [tilespmem:v9+s16+$0x0], $0xffff  }
0x50: {  	v45 =	vld.idx.msk [tilespmem:v15+s18+$0x0], $0xffff  }
0x51: {  	v46 =	vld.idx.msk [tilespmem:v6+s15+$0x0], $0xffff  }
0x52: {  	v17 =	vsub.f32 v17, v2;
	v19 =	vld.idx.msk [tilespmem:v6+s17+$0x0], $0xffff  }
0x53: {  	v5 =	vadd.f32 v18, v5;
	v47 =	vld.idx.msk [tilespmem:v6+s16+$0x0], $0xffff  }
0x54: {  	v11 =	vadd.f32 v11, v13;
	v48 =	vld.idx.msk [tilespmem:v6+s18+$0x0], $0xffff;
	v3 =	vmul.f32 v7, v3;
	v17 =	vadd.f32 $9.999999970e-07, v17  }
0x55: {  	v12 =	vadd.f32 v16, v12;
	v2 =	vmul.f32 v7, v2;
	v14 =	vadd.f32 v14, v4  }
0x56: {  	v57 =	vmul.f32 v7, v7;
	v3 =	vadd.f32 v3, v10;
	v49 =	vmul.f32 v17, v7  }
0x57: {  	v54 =	vmul.f32 v17, v17;
	v50 =	vsub.f32 v14, v1;
	v52 =	vadd.f32 v19, v46  }
0x58: {  	v2 =	vadd.f32 v2, v8;
	v51 =	vmul.f32 v45, v4;
	v1 =	vmul.f32 v45, v1  }
0x59: {  	v56 =	vmul.f32 v48, v47;
	v53 =	vadd.f32 $9.999999970e-07, v50;
	v55 =	vsub.f32 v52, v47  }
0x5a: {  	v3 =	vadd.f32 v51, v3;
	v1 =	vadd.f32 v1, v2;
	v2 =	vmul.f32 v48, v46  }
0x5b: {  	v59 =	vmul.f32 v45, v45;
	v5 =	vadd.f32 v49, v5;
	v4 =	vadd.f32 $9.999999970e-07, v55  }
0x5c: {  	v58 =	vmul.f32 v53, v45;
	v2 =	vadd.f32 v2, v3;
	v1 =	vadd.f32 v56, v1  }
0x5d: {  	v12 =	vadd.f32 v54, v12;
	v3 =	vadd.f32 v57, v11;
	v60 =	vmul.f32 v53, v53  }
0x5e: {  	v5 =	vadd.f32 v58, v5;
	v61 =	vmul.f32 v4, v48;
	v1 =	vsub.f32 v2, v1  }
0x5f: {  	v2 =	vadd.f32 v60, v12;
	v3 =	vadd.f32 v59, v3;
	v4 =	vmul.f32 v4, v4  }
0x60: {  	v6 =	vmul.f32 v48, v48;
	v5 =	vadd.f32 v61, v5;
	v62 =	vadd.f32 v1, v1  }
0x61: {  	v2 =	vadd.f32 v4, v2  }
0x62: {  	s22 =	sadd.s32 $0x1, s22;
	v3 =	vadd.f32 v6, v3;
	v1 =	vmul.f32 v1, v1;
	v63 =	vmul.f32 v5, v62  }
0x63: {  	p0 =	sne.s32 s22, $0x8  }
.Ltmp1:
0x64: {  	v1 =	vmul.f32 v3, v1;
	v2 =	vsub.f32 v2, v63;
	(pc) =	sbr.rel @p0 .LBB2_2-.Ltmp1, $3  }
0x65: {  	_ = 	snop  }
0x66: {  	v1 =	vadd.f32 v1, v2;
	_ =	sdelay $0x1  }
0x67: {  	[tilespmem:s23+$0x8C00] =	vst v1  }
0x68: {  	[tilespmem:s15], [sflag:$0x1] =	stream.indirect.gather [hbm4b:s3+s14], $0x40, s14, s14, $0xb8;
	[tilespmem:$0x9000] =	vst v63  }
0x69: {  	s22 =	simm.s32 $0x880  }
0x6a: {  	[tilespmem:s16], [sflag:$0x1] =	stream.indirect.gather [hbm4b:s3+s14], $0x40, s22, s14, $0xb8;
	[tilespmem:$0x9000] =	vst v63  }
0x6b: {  	_ = 	snop  }
0x6c: {  	[tilespmem:s17], [sflag:$0x1] =	stream.indirect.gather [hbm4b:s4+s14], $0x40, s21, s14, $0xb8;
	[tilespmem:$0x9000] =	vst v63  }
0x6d: {  	_ = 	snop  }
0x6e: {  	[tilespmem:s18], [sflag:$0x1] =	stream.indirect.gather [hbm4b:s5+s14], $0x40, s21, s14, $0xb8;
	[tilespmem:$0x9000] =	vst v63  }
0x6f: {  	_ =	swait.ge [sflag:s19], $0x2000  }
0x70: {  	[sflag:s19] =	ssyncset.done $0x0  }
0x71: {  	[sflag:s19] =	ssyncadd.s32 $0xFFFFE000  }
0x72: {  	_ =	swait.ge [sflag:s19], $0x2000  }
0x73: {  	[sflag:s19] =	ssyncset.done $0x0  }
0x74: {  	[sflag:s19] =	ssyncadd.s32 $0xFFFFE000  }
0x75: {  	_ =	swait.ge [sflag:s19], $0x2000  }
0x76: {  	[sflag:s19] =	ssyncset.done $0x0  }
0x77: {  	[sflag:s19] =	ssyncadd.s32 $0xFFFFE000  }
0x78: {  	_ =	swait.ge [sflag:s19], $0x2000  }
0x79: {  	[sflag:s19] =	ssyncset.done $0x0  }
0x7a: {  	s23 =	simm.s32 $0x0;
	s22 =	simm.s32 $0x0;
	[sflag:s19] =	ssyncadd.s32 $0xFFFFE000  }
.LBB2_6:
0x7b: {  	s26 =	sshll.u32 s23, $0x4;
	v1 =	vmov s22  }
0x7c: {  	v2 =	vmov s26;
	v1 =	vand.u32 $0x3F, v1  }
0x7d: {  	v2 =	vshll.u32 v2, $0x6;
	v3 =	vbroadcast v1, $0x0  }
0x7e: {  	v1 =	vor.u32 v0, v2  }
0x7f: {  	v2 =	vor.u32 v1, v3  }
0x80: {  	s29 =	simm.s32 $0x1  }
0x81: {  	v3 =	vmov s29  }
0x82: {  	v3 =	vand.u32 $0x3F, v3  }
0x83: {  	v3 =	vbroadcast v3, $0x0  }
0x84: {  	v4 =	vld.idx.msk [tilespmem:v2+s15+$0x0], $0xffff  }
0x85: {  	v6 =	vor.u32 v1, v3;
	v5 =	vld.idx.msk [tilespmem:v2+s17+$0x0], $0xffff  }
0x86: {  	s29 =	simm.s32 $0x2  }
0x87: {  	v3 =	vmov s29;
	v7 =	vld.idx.msk [tilespmem:v2+s16+$0x0], $0xffff  }
0x88: {  	v3 =	vand.u32 $0x3F, v3;
	v8 =	vld.idx.msk [tilespmem:v2+s18+$0x0], $0xffff  }
0x89: {  	v2 =	vbroadcast v3, $0x0  }
0x8a: {  	s29 =	simm.s32 $0x3;
	v3 =	vld.idx.msk [tilespmem:v6+s15+$0x0], $0xffff;
	v5 =	vadd.f32 v5, v4  }
0x8b: {  	v9 =	vor.u32 v1, v2;
	v2 =	vmov s29;
	v10 =	vld.idx.msk [tilespmem:v6+s17+$0x0], $0xffff  }
0x8c: {  	v2 =	vand.u32 $0x3F, v2;
	v11 =	vsub.f32 v5, v7  }
0x8d: {  	v12 =	vbroadcast v2, $0x0;
	v15 =	vmul.f32 v8, v7  }
0x8e: {  	v14 =	vmul.f32 v8, v4;
	v5 =	vimm.f32 $0.0e+00;
	v7 =	vld.idx.msk [tilespmem:v6+s18+$0x0], $0xffff;
	v13 =	vadd.f32 $9.999999970e-07, v11  }
0x8f: {  	v2 =	vld.idx.msk [tilespmem:v6+s16+$0x0], $0xffff;
	v6 =	vor.u32 v1, v12;
	v12 =	vimm.f32 $0.0e+00;
	v11 =	vmul.f32 v8, v8  }
0x90: {  	v4 =	vld.idx.msk [tilespmem:v9+s15+$0x0], $0xffff;
	v17 =	vadd.f32 v10, v3;
	v10 =	vadd.f32 v14, v5;
	v18 =	vmul.f32 v13, v8  }
0x91: {  	s29 =	simm.s32 $0x4;
	v14 =	vld.idx.msk [tilespmem:v9+s17+$0x0], $0xffff;
	v8 =	vadd.f32 v15, v5;
	v16 =	vmul.f32 v13, v13;
	v13 =	vimm.f32 $0.0e+00;
	v15 =	vmovc v9  }
.LBB2_7:
0x92: {  	_ = 	snop  }
0x93: {  	v19 =	vmov v7  }
0x94: {  	v17 =	vsub.f32 v17, v2;
	v5 =	vadd.f32 v18, v5;
	v18 =	vmovc v2;
	p0 =	sne.s32 s29, $0x3F;
	v7 =	vmov s29;
	v2 =	vld.idx.msk [tilespmem:v9+s16+$0x0], $0xffff;
	v9 =	vmovc v6  }
.Ltmp2:
0x95: {  	v13 =	vadd.f32 v11, v13;
	s29 =	sadd.s32 $0x1, s29;
	v12 =	vadd.f32 v16, v12;
	v7 =	vand.u32 $0x3F, v7;
	(pc) =	sbr.rel @p0 .LBB2_7-.Ltmp2, $4  }
0x96: {  	v20 =	vadd.f32 $9.999999970e-07, v17;
	v21 =	vmul.f32 v19, v3;
	v22 =	vmovc v19;
	v16 =	vbroadcast v7, $0x0;
	v7 =	vld.idx.msk [tilespmem:v15+s18+$0x0], $0xffff;
	v15 =	vmovc v6  }
0x97: {  	v3 =	vmov v4;
	v23 =	vmul.f32 v22, v18;
	v11 =	vmul.f32 v19, v22;
	v4 =	vld.idx.msk [tilespmem:v6+s15+$0x0], $0xffff  }
0x98: {  	v17 =	vadd.f32 v14, v3;
	v18 =	vmul.f32 v20, v22;
	v14 =	vld.idx.msk [tilespmem:v6+s17+$0x0], $0xffff;
	v6 =	vor.u32 v1, v16  }
0x99: {  	v10 =	vadd.f32 v21, v10;
	v8 =	vadd.f32 v23, v8;
	v16 =	vmul.f32 v20, v20  }
0x9a: {  	_ =	sdelay $0x3  }
0x9b: {  	v1 =	vld.idx.msk [tilespmem:v9+s16+$0x0], $0xffff  }
0x9c: {  	v45 =	vld.idx.msk [tilespmem:v15+s18+$0x0], $0xffff  }
0x9d: {  	v46 =	vld.idx.msk [tilespmem:v6+s15+$0x0], $0xffff  }
0x9e: {  	v17 =	vsub.f32 v17, v2;
	v19 =	vld.idx.msk [tilespmem:v6+s17+$0x0], $0xffff  }
0x9f: {  	v5 =	vadd.f32 v18, v5;
	v47 =	vld.idx.msk [tilespmem:v6+s16+$0x0], $0xffff  }
0xa0: {  	v11 =	vadd.f32 v11, v13;
	v48 =	vld.idx.msk [tilespmem:v6+s18+$0x0], $0xffff;
	v3 =	vmul.f32 v7, v3;
	v17 =	vadd.f32 $9.999999970e-07, v17  }
0xa1: {  	v12 =	vadd.f32 v16, v12;
	v2 =	vmul.f32 v7, v2;
	v14 =	vadd.f32 v14, v4  }
0xa2: {  	v57 =	vmul.f32 v7, v7;
	v3 =	vadd.f32 v3, v10;
	v49 =	vmul.f32 v17, v7  }
0xa3: {  	v54 =	vmul.f32 v17, v17;
	v50 =	vsub.f32 v14, v1;
	v52 =	vadd.f32 v19, v46  }
0xa4: {  	v2 =	vadd.f32 v2, v8;
	v51 =	vmul.f32 v45, v4;
	v1 =	vmul.f32 v45, v1  }
0xa5: {  	v56 =	vmul.f32 v48, v47;
	v53 =	vadd.f32 $9.999999970e-07, v50;
	v55 =	vsub.f32 v52, v47  }
0xa6: {  	v3 =	vadd.f32 v51, v3;
	v1 =	vadd.f32 v1, v2;
	v2 =	vmul.f32 v48, v46  }
0xa7: {  	v59 =	vmul.f32 v45, v45;
	v5 =	vadd.f32 v49, v5;
	v4 =	vadd.f32 $9.999999970e-07, v55  }
0xa8: {  	v58 =	vmul.f32 v53, v45;
	v2 =	vadd.f32 v2, v3;
	v1 =	vadd.f32 v56, v1  }
0xa9: {  	v12 =	vadd.f32 v54, v12;
	v3 =	vadd.f32 v57, v11;
	v60 =	vmul.f32 v53, v53  }
0xaa: {  	v5 =	vadd.f32 v58, v5;
	v61 =	vmul.f32 v4, v48;
	v1 =	vsub.f32 v2, v1  }
0xab: {  	v2 =	vadd.f32 v60, v12;
	v3 =	vadd.f32 v59, v3;
	v4 =	vmul.f32 v4, v4  }
0xac: {  	v6 =	vmul.f32 v48, v48;
	v5 =	vadd.f32 v61, v5;
	v62 =	vadd.f32 v1, v1  }
0xad: {  	v2 =	vadd.f32 v4, v2  }
0xae: {  	s23 =	sadd.s32 $0x1, s23;
	v3 =	vadd.f32 v6, v3;
	v1 =	vmul.f32 v1, v1;
	v63 =	vmul.f32 v5, v62  }
0xaf: {  	p0 =	sne.s32 s23, $0x8  }
.Ltmp3:
0xb0: {  	v1 =	vmul.f32 v3, v1;
	v2 =	vsub.f32 v2, v63;
	(pc) =	sbr.rel @p0 .LBB2_6-.Ltmp3, $3  }
0xb1: {  	_ = 	snop  }
0xb2: {  	v1 =	vadd.f32 v1, v2;
	_ =	sdelay $0x1  }
0xb3: {  	[tilespmem:s26+$0x8C80] =	vst v1  }
0xb4: {  	s22 =	simm.s32 $0x100  }
0xb5: {  	[tilespmem:s15], [sflag:$0x1] =	stream.indirect.gather [hbm4b:s3+s14], $0x40, s22, s14, $0xb8;
	[tilespmem:$0x9000] =	vst v63  }
0xb6: {  	s29 =	simm.s32 $0x900  }
0xb7: {  	[tilespmem:s16], [sflag:$0x1] =	stream.indirect.gather [hbm4b:s3+s14], $0x40, s29, s14, $0xb8;
	[tilespmem:$0x9000] =	vst v63  }
0xb8: {  	_ = 	snop  }
0xb9: {  	[tilespmem:s17], [sflag:$0x1] =	stream.indirect.gather [hbm4b:s4+s14], $0x40, s24, s14, $0xb8;
	[tilespmem:$0x9000] =	vst v63  }
0xba: {  	_ = 	snop  }
0xbb: {  	[tilespmem:s18], [sflag:$0x1] =	stream.indirect.gather [hbm4b:s5+s14], $0x40, s24, s14, $0xb8;
	[tilespmem:$0x9000] =	vst v63  }
0xbc: {  	_ =	swait.ge [sflag:s19], $0x2000  }
0xbd: {  	[sflag:s19] =	ssyncset.done $0x0  }
0xbe: {  	[sflag:s19] =	ssyncadd.s32 $0xFFFFE000  }
0xbf: {  	_ =	swait.ge [sflag:s19], $0x2000  }
0xc0: {  	[sflag:s19] =	ssyncset.done $0x0  }
0xc1: {  	[sflag:s19] =	ssyncadd.s32 $0xFFFFE000  }
0xc2: {  	_ =	swait.ge [sflag:s19], $0x2000  }
0xc3: {  	[sflag:s19] =	ssyncset.done $0x0  }
0xc4: {  	[sflag:s19] =	ssyncadd.s32 $0xFFFFE000  }
0xc5: {  	_ =	swait.ge [sflag:s19], $0x2000  }
0xc6: {  	[sflag:s19] =	ssyncset.done $0x0  }
0xc7: {  	s23 =	simm.s32 $0x0;
	s22 =	simm.s32 $0x0;
	[sflag:s19] =	ssyncadd.s32 $0xFFFFE000  }
.LBB2_10:
0xc8: {  	s26 =	sshll.u32 s23, $0x4;
	v1 =	vmov s22  }
0xc9: {  	v2 =	vmov s26;
	v1 =	vand.u32 $0x3F, v1  }
0xca: {  	v2 =	vshll.u32 v2, $0x6;
	v3 =	vbroadcast v1, $0x0  }
0xcb: {  	v1 =	vor.u32 v0, v2  }
0xcc: {  	v2 =	vor.u32 v1, v3  }
0xcd: {  	s29 =	simm.s32 $0x1  }
0xce: {  	v3 =	vmov s29  }
0xcf: {  	v3 =	vand.u32 $0x3F, v3  }
0xd0: {  	v3 =	vbroadcast v3, $0x0  }
0xd1: {  	v4 =	vld.idx.msk [tilespmem:v2+s15+$0x0], $0xffff  }
0xd2: {  	v6 =	vor.u32 v1, v3;
	v5 =	vld.idx.msk [tilespmem:v2+s17+$0x0], $0xffff  }
0xd3: {  	s29 =	simm.s32 $0x2  }
0xd4: {  	v3 =	vmov s29;
	v7 =	vld.idx.msk [tilespmem:v2+s16+$0x0], $0xffff  }
0xd5: {  	v3 =	vand.u32 $0x3F, v3;
	v8 =	vld.idx.msk [tilespmem:v2+s18+$0x0], $0xffff  }
0xd6: {  	v2 =	vbroadcast v3, $0x0  }
0xd7: {  	s29 =	simm.s32 $0x3;
	v3 =	vld.idx.msk [tilespmem:v6+s15+$0x0], $0xffff;
	v5 =	vadd.f32 v5, v4  }
0xd8: {  	v9 =	vor.u32 v1, v2;
	v2 =	vmov s29;
	v10 =	vld.idx.msk [tilespmem:v6+s17+$0x0], $0xffff  }
0xd9: {  	v2 =	vand.u32 $0x3F, v2;
	v11 =	vsub.f32 v5, v7  }
0xda: {  	v12 =	vbroadcast v2, $0x0;
	v15 =	vmul.f32 v8, v7  }
0xdb: {  	v14 =	vmul.f32 v8, v4;
	v5 =	vimm.f32 $0.0e+00;
	v7 =	vld.idx.msk [tilespmem:v6+s18+$0x0], $0xffff;
	v13 =	vadd.f32 $9.999999970e-07, v11  }
0xdc: {  	v2 =	vld.idx.msk [tilespmem:v6+s16+$0x0], $0xffff;
	v6 =	vor.u32 v1, v12;
	v12 =	vimm.f32 $0.0e+00;
	v11 =	vmul.f32 v8, v8  }
0xdd: {  	v4 =	vld.idx.msk [tilespmem:v9+s15+$0x0], $0xffff;
	v17 =	vadd.f32 v10, v3;
	v10 =	vadd.f32 v14, v5;
	v18 =	vmul.f32 v13, v8  }
0xde: {  	s29 =	simm.s32 $0x4;
	v14 =	vld.idx.msk [tilespmem:v9+s17+$0x0], $0xffff;
	v8 =	vadd.f32 v15, v5;
	v16 =	vmul.f32 v13, v13;
	v13 =	vimm.f32 $0.0e+00;
	v15 =	vmovc v9  }
.LBB2_11:
0xdf: {  	_ = 	snop  }
0xe0: {  	v19 =	vmov v7  }
0xe1: {  	v17 =	vsub.f32 v17, v2;
	v5 =	vadd.f32 v18, v5;
	v18 =	vmovc v2;
	p0 =	sne.s32 s29, $0x3F;
	v7 =	vmov s29;
	v2 =	vld.idx.msk [tilespmem:v9+s16+$0x0], $0xffff;
	v9 =	vmovc v6  }
.Ltmp4:
0xe2: {  	v13 =	vadd.f32 v11, v13;
	s29 =	sadd.s32 $0x1, s29;
	v12 =	vadd.f32 v16, v12;
	v7 =	vand.u32 $0x3F, v7;
	(pc) =	sbr.rel @p0 .LBB2_11-.Ltmp4, $4  }
0xe3: {  	v20 =	vadd.f32 $9.999999970e-07, v17;
	v21 =	vmul.f32 v19, v3;
	v22 =	vmovc v19;
	v16 =	vbroadcast v7, $0x0;
	v7 =	vld.idx.msk [tilespmem:v15+s18+$0x0], $0xffff;
	v15 =	vmovc v6  }
0xe4: {  	v3 =	vmov v4;
	v23 =	vmul.f32 v22, v18;
	v11 =	vmul.f32 v19, v22;
	v4 =	vld.idx.msk [tilespmem:v6+s15+$0x0], $0xffff  }
0xe5: {  	v17 =	vadd.f32 v14, v3;
	v18 =	vmul.f32 v20, v22;
	v14 =	vld.idx.msk [tilespmem:v6+s17+$0x0], $0xffff;
	v6 =	vor.u32 v1, v16  }
0xe6: {  	v10 =	vadd.f32 v21, v10;
	v8 =	vadd.f32 v23, v8;
	v16 =	vmul.f32 v20, v20  }
0xe7: {  	_ =	sdelay $0x3  }
0xe8: {  	v1 =	vld.idx.msk [tilespmem:v9+s16+$0x0], $0xffff  }
0xe9: {  	v45 =	vld.idx.msk [tilespmem:v15+s18+$0x0], $0xffff  }
0xea: {  	v46 =	vld.idx.msk [tilespmem:v6+s15+$0x0], $0xffff  }
0xeb: {  	v17 =	vsub.f32 v17, v2;
	v19 =	vld.idx.msk [tilespmem:v6+s17+$0x0], $0xffff  }
0xec: {  	v5 =	vadd.f32 v18, v5;
	v47 =	vld.idx.msk [tilespmem:v6+s16+$0x0], $0xffff  }
0xed: {  	v11 =	vadd.f32 v11, v13;
	v48 =	vld.idx.msk [tilespmem:v6+s18+$0x0], $0xffff;
	v3 =	vmul.f32 v7, v3;
	v17 =	vadd.f32 $9.999999970e-07, v17  }
0xee: {  	v12 =	vadd.f32 v16, v12;
	v2 =	vmul.f32 v7, v2;
	v14 =	vadd.f32 v14, v4  }
0xef: {  	v57 =	vmul.f32 v7, v7;
	v3 =	vadd.f32 v3, v10;
	v49 =	vmul.f32 v17, v7  }
0xf0: {  	v54 =	vmul.f32 v17, v17;
	v50 =	vsub.f32 v14, v1;
	v52 =	vadd.f32 v19, v46  }
0xf1: {  	v2 =	vadd.f32 v2, v8;
	v51 =	vmul.f32 v45, v4;
	v1 =	vmul.f32 v45, v1  }
0xf2: {  	v56 =	vmul.f32 v48, v47;
	v53 =	vadd.f32 $9.999999970e-07, v50;
	v55 =	vsub.f32 v52, v47  }
0xf3: {  	v3 =	vadd.f32 v51, v3;
	v1 =	vadd.f32 v1, v2;
	v2 =	vmul.f32 v48, v46  }
0xf4: {  	v59 =	vmul.f32 v45, v45;
	v5 =	vadd.f32 v49, v5;
	v4 =	vadd.f32 $9.999999970e-07, v55  }
0xf5: {  	v58 =	vmul.f32 v53, v45;
	v2 =	vadd.f32 v2, v3;
	v1 =	vadd.f32 v56, v1  }
0xf6: {  	v12 =	vadd.f32 v54, v12;
	v3 =	vadd.f32 v57, v11;
	v60 =	vmul.f32 v53, v53  }
0xf7: {  	v5 =	vadd.f32 v58, v5;
	v61 =	vmul.f32 v4, v48;
	v1 =	vsub.f32 v2, v1  }
0xf8: {  	v2 =	vadd.f32 v60, v12;
	v3 =	vadd.f32 v59, v3;
	v4 =	vmul.f32 v4, v4  }
0xf9: {  	v6 =	vmul.f32 v48, v48;
	v5 =	vadd.f32 v61, v5;
	v62 =	vadd.f32 v1, v1  }
0xfa: {  	v2 =	vadd.f32 v4, v2  }
0xfb: {  	s23 =	sadd.s32 $0x1, s23;
	v3 =	vadd.f32 v6, v3;
	v1 =	vmul.f32 v1, v1;
	v63 =	vmul.f32 v5, v62  }
0xfc: {  	p0 =	sne.s32 s23, $0x8  }
.Ltmp5:
0xfd: {  	v1 =	vmul.f32 v3, v1;
	v2 =	vsub.f32 v2, v63;
	(pc) =	sbr.rel @p0 .LBB2_10-.Ltmp5, $3  }
0xfe: {  	_ = 	snop  }
0xff: {  	v1 =	vadd.f32 v1, v2;
	_ =	sdelay $0x1  }
0x100: {  	[tilespmem:s26+$0x8D00] =	vst v1  }
0x101: {  	s22 =	simm.s32 $0x180  }
0x102: {  	[tilespmem:s15], [sflag:$0x1] =	stream.indirect.gather [hbm4b:s3+s14], $0x40, s22, s14, $0xb8;
	[tilespmem:$0x9000] =	vst v63  }
0x103: {  	s29 =	simm.s32 $0x980  }
0x104: {  	[tilespmem:s16], [sflag:$0x1] =	stream.indirect.gather [hbm4b:s3+s14], $0x40, s29, s14, $0xb8;
	[tilespmem:$0x9000] =	vst v63  }
0x105: {  	_ = 	snop  }
0x106: {  	[tilespmem:s17], [sflag:$0x1] =	stream.indirect.gather [hbm4b:s4+s14], $0x40, s28, s14, $0xb8;
	[tilespmem:$0x9000] =	vst v63  }
0x107: {  	_ = 	snop  }
0x108: {  	[tilespmem:s18], [sflag:$0x1] =	stream.indirect.gather [hbm4b:s5+s14], $0x40, s28, s14, $0xb8;
	[tilespmem:$0x9000] =	vst v63  }
0x109: {  	_ =	swait.ge [sflag:s19], $0x2000  }
0x10a: {  	[sflag:s19] =	ssyncset.done $0x0  }
0x10b: {  	[sflag:s19] =	ssyncadd.s32 $0xFFFFE000  }
0x10c: {  	_ =	swait.ge [sflag:s19], $0x2000  }
0x10d: {  	[sflag:s19] =	ssyncset.done $0x0  }
0x10e: {  	[sflag:s19] =	ssyncadd.s32 $0xFFFFE000  }
0x10f: {  	_ =	swait.ge [sflag:s19], $0x2000  }
0x110: {  	[sflag:s19] =	ssyncset.done $0x0  }
0x111: {  	[sflag:s19] =	ssyncadd.s32 $0xFFFFE000  }
0x112: {  	_ =	swait.ge [sflag:s19], $0x2000  }
0x113: {  	[sflag:s19] =	ssyncset.done $0x0  }
0x114: {  	s23 =	simm.s32 $0x0;
	s22 =	simm.s32 $0x0;
	[sflag:s19] =	ssyncadd.s32 $0xFFFFE000  }
.LBB2_14:
0x115: {  	s26 =	sshll.u32 s23, $0x4;
	v1 =	vmov s22  }
0x116: {  	v2 =	vmov s26;
	v1 =	vand.u32 $0x3F, v1  }
0x117: {  	v2 =	vshll.u32 v2, $0x6;
	v3 =	vbroadcast v1, $0x0  }
0x118: {  	v1 =	vor.u32 v0, v2  }
0x119: {  	v2 =	vor.u32 v1, v3  }
0x11a: {  	s29 =	simm.s32 $0x1  }
0x11b: {  	v3 =	vmov s29  }
0x11c: {  	v3 =	vand.u32 $0x3F, v3  }
0x11d: {  	v3 =	vbroadcast v3, $0x0  }
0x11e: {  	v4 =	vld.idx.msk [tilespmem:v2+s15+$0x0], $0xffff  }
0x11f: {  	v6 =	vor.u32 v1, v3;
	v5 =	vld.idx.msk [tilespmem:v2+s17+$0x0], $0xffff  }
0x120: {  	s29 =	simm.s32 $0x2  }
0x121: {  	v3 =	vmov s29;
	v7 =	vld.idx.msk [tilespmem:v2+s16+$0x0], $0xffff  }
0x122: {  	v3 =	vand.u32 $0x3F, v3;
	v8 =	vld.idx.msk [tilespmem:v2+s18+$0x0], $0xffff  }
0x123: {  	v2 =	vbroadcast v3, $0x0  }
0x124: {  	s29 =	simm.s32 $0x3;
	v3 =	vld.idx.msk [tilespmem:v6+s15+$0x0], $0xffff;
	v5 =	vadd.f32 v5, v4  }
0x125: {  	v9 =	vor.u32 v1, v2;
	v2 =	vmov s29;
	v10 =	vld.idx.msk [tilespmem:v6+s17+$0x0], $0xffff  }
0x126: {  	v2 =	vand.u32 $0x3F, v2;
	v11 =	vsub.f32 v5, v7  }
0x127: {  	v12 =	vbroadcast v2, $0x0;
	v15 =	vmul.f32 v8, v7  }
0x128: {  	v14 =	vmul.f32 v8, v4;
	v5 =	vimm.f32 $0.0e+00;
	v7 =	vld.idx.msk [tilespmem:v6+s18+$0x0], $0xffff;
	v13 =	vadd.f32 $9.999999970e-07, v11  }
0x129: {  	v2 =	vld.idx.msk [tilespmem:v6+s16+$0x0], $0xffff;
	v6 =	vor.u32 v1, v12;
	v12 =	vimm.f32 $0.0e+00;
	v11 =	vmul.f32 v8, v8  }
0x12a: {  	v4 =	vld.idx.msk [tilespmem:v9+s15+$0x0], $0xffff;
	v17 =	vadd.f32 v10, v3;
	v10 =	vadd.f32 v14, v5;
	v18 =	vmul.f32 v13, v8  }
0x12b: {  	s29 =	simm.s32 $0x4;
	v14 =	vld.idx.msk [tilespmem:v9+s17+$0x0], $0xffff;
	v8 =	vadd.f32 v15, v5;
	v16 =	vmul.f32 v13, v13;
	v13 =	vimm.f32 $0.0e+00;
	v15 =	vmovc v9  }
.LBB2_15:
0x12c: {  	_ = 	snop  }
0x12d: {  	v19 =	vmov v7  }
0x12e: {  	v17 =	vsub.f32 v17, v2;
	v5 =	vadd.f32 v18, v5;
	v18 =	vmovc v2;
	p0 =	sne.s32 s29, $0x3F;
	v7 =	vmov s29;
	v2 =	vld.idx.msk [tilespmem:v9+s16+$0x0], $0xffff;
	v9 =	vmovc v6  }
.Ltmp6:
0x12f: {  	v13 =	vadd.f32 v11, v13;
	s29 =	sadd.s32 $0x1, s29;
	v12 =	vadd.f32 v16, v12;
	v7 =	vand.u32 $0x3F, v7;
	(pc) =	sbr.rel @p0 .LBB2_15-.Ltmp6, $4  }
0x130: {  	v20 =	vadd.f32 $9.999999970e-07, v17;
	v21 =	vmul.f32 v19, v3;
	v22 =	vmovc v19;
	v16 =	vbroadcast v7, $0x0;
	v7 =	vld.idx.msk [tilespmem:v15+s18+$0x0], $0xffff;
	v15 =	vmovc v6  }
0x131: {  	v3 =	vmov v4;
	v23 =	vmul.f32 v22, v18;
	v11 =	vmul.f32 v19, v22;
	v4 =	vld.idx.msk [tilespmem:v6+s15+$0x0], $0xffff  }
0x132: {  	v17 =	vadd.f32 v14, v3;
	v18 =	vmul.f32 v20, v22;
	v14 =	vld.idx.msk [tilespmem:v6+s17+$0x0], $0xffff;
	v6 =	vor.u32 v1, v16  }
0x133: {  	v10 =	vadd.f32 v21, v10;
	v8 =	vadd.f32 v23, v8;
	v16 =	vmul.f32 v20, v20  }
0x134: {  	_ =	sdelay $0x3  }
0x135: {  	v1 =	vld.idx.msk [tilespmem:v9+s16+$0x0], $0xffff  }
0x136: {  	v45 =	vld.idx.msk [tilespmem:v15+s18+$0x0], $0xffff  }
0x137: {  	v46 =	vld.idx.msk [tilespmem:v6+s15+$0x0], $0xffff  }
0x138: {  	v17 =	vsub.f32 v17, v2;
	v19 =	vld.idx.msk [tilespmem:v6+s17+$0x0], $0xffff  }
0x139: {  	v5 =	vadd.f32 v18, v5;
	v47 =	vld.idx.msk [tilespmem:v6+s16+$0x0], $0xffff  }
0x13a: {  	v11 =	vadd.f32 v11, v13;
	v48 =	vld.idx.msk [tilespmem:v6+s18+$0x0], $0xffff;
	v3 =	vmul.f32 v7, v3;
	v17 =	vadd.f32 $9.999999970e-07, v17  }
0x13b: {  	v12 =	vadd.f32 v16, v12;
	v2 =	vmul.f32 v7, v2;
	v14 =	vadd.f32 v14, v4  }
0x13c: {  	v57 =	vmul.f32 v7, v7;
	v3 =	vadd.f32 v3, v10;
	v49 =	vmul.f32 v17, v7  }
0x13d: {  	v54 =	vmul.f32 v17, v17;
	v50 =	vsub.f32 v14, v1;
	v52 =	vadd.f32 v19, v46  }
0x13e: {  	v2 =	vadd.f32 v2, v8;
	v51 =	vmul.f32 v45, v4;
	v1 =	vmul.f32 v45, v1  }
0x13f: {  	v56 =	vmul.f32 v48, v47;
	v53 =	vadd.f32 $9.999999970e-07, v50;
	v55 =	vsub.f32 v52, v47  }
0x140: {  	v3 =	vadd.f32 v51, v3;
	v1 =	vadd.f32 v1, v2;
	v2 =	vmul.f32 v48, v46  }
0x141: {  	v59 =	vmul.f32 v45, v45;
	v5 =	vadd.f32 v49, v5;
	v4 =	vadd.f32 $9.999999970e-07, v55  }
0x142: {  	v58 =	vmul.f32 v53, v45;
	v2 =	vadd.f32 v2, v3;
	v1 =	vadd.f32 v56, v1  }
0x143: {  	v12 =	vadd.f32 v54, v12;
	v3 =	vadd.f32 v57, v11;
	v60 =	vmul.f32 v53, v53  }
0x144: {  	v5 =	vadd.f32 v58, v5;
	v61 =	vmul.f32 v4, v48;
	v1 =	vsub.f32 v2, v1  }
0x145: {  	v2 =	vadd.f32 v60, v12;
	v3 =	vadd.f32 v59, v3;
	v4 =	vmul.f32 v4, v4  }
0x146: {  	v6 =	vmul.f32 v48, v48;
	v5 =	vadd.f32 v61, v5;
	v62 =	vadd.f32 v1, v1  }
0x147: {  	v2 =	vadd.f32 v4, v2  }
0x148: {  	s23 =	sadd.s32 $0x1, s23;
	v3 =	vadd.f32 v6, v3;
	v1 =	vmul.f32 v1, v1;
	v63 =	vmul.f32 v5, v62  }
0x149: {  	p0 =	sne.s32 s23, $0x8  }
.Ltmp7:
0x14a: {  	v1 =	vmul.f32 v3, v1;
	v2 =	vsub.f32 v2, v63;
	(pc) =	sbr.rel @p0 .LBB2_14-.Ltmp7, $3  }
0x14b: {  	_ = 	snop  }
0x14c: {  	v1 =	vadd.f32 v1, v2;
	_ =	sdelay $0x1  }
0x14d: {  	[tilespmem:s26+$0x8D80] =	vst v1  }
0x14e: {  	s22 =	simm.s32 $0x200  }
0x14f: {  	[tilespmem:s15], [sflag:$0x1] =	stream.indirect.gather [hbm4b:s3+s14], $0x40, s22, s14, $0xb8;
	[tilespmem:$0x9000] =	vst v63  }
0x150: {  	s29 =	simm.s32 $0xA00  }
0x151: {  	[tilespmem:s16], [sflag:$0x1] =	stream.indirect.gather [hbm4b:s3+s14], $0x40, s29, s14, $0xb8;
	[tilespmem:$0x9000] =	vst v63  }
0x152: {  	_ = 	snop  }
0x153: {  	[tilespmem:s17], [sflag:$0x1] =	stream.indirect.gather [hbm4b:s4+s14], $0x40, s31, s14, $0xb8;
	[tilespmem:$0x9000] =	vst v63  }
0x154: {  	_ = 	snop  }
0x155: {  	[tilespmem:s18], [sflag:$0x1] =	stream.indirect.gather [hbm4b:s5+s14], $0x40, s31, s14, $0xb8;
	[tilespmem:$0x9000] =	vst v63  }
0x156: {  	_ =	swait.ge [sflag:s19], $0x2000  }
0x157: {  	[sflag:s19] =	ssyncset.done $0x0  }
0x158: {  	[sflag:s19] =	ssyncadd.s32 $0xFFFFE000  }
0x159: {  	_ =	swait.ge [sflag:s19], $0x2000  }
0x15a: {  	[sflag:s19] =	ssyncset.done $0x0  }
0x15b: {  	[sflag:s19] =	ssyncadd.s32 $0xFFFFE000  }
0x15c: {  	_ =	swait.ge [sflag:s19], $0x2000  }
0x15d: {  	[sflag:s19] =	ssyncset.done $0x0  }
0x15e: {  	[sflag:s19] =	ssyncadd.s32 $0xFFFFE000  }
0x15f: {  	_ =	swait.ge [sflag:s19], $0x2000  }
0x160: {  	[sflag:s19] =	ssyncset.done $0x0  }
0x161: {  	s23 =	simm.s32 $0x0;
	s22 =	simm.s32 $0x0;
	[sflag:s19] =	ssyncadd.s32 $0xFFFFE000  }
.LBB2_18:
0x162: {  	s26 =	sshll.u32 s23, $0x4;
	v1 =	vmov s22  }
0x163: {  	v2 =	vmov s26;
	v1 =	vand.u32 $0x3F, v1  }
0x164: {  	v2 =	vshll.u32 v2, $0x6;
	v3 =	vbroadcast v1, $0x0  }
0x165: {  	v1 =	vor.u32 v0, v2  }
0x166: {  	v2 =	vor.u32 v1, v3  }
0x167: {  	s29 =	simm.s32 $0x1  }
0x168: {  	v3 =	vmov s29  }
0x169: {  	v3 =	vand.u32 $0x3F, v3  }
0x16a: {  	v3 =	vbroadcast v3, $0x0  }
0x16b: {  	v4 =	vld.idx.msk [tilespmem:v2+s15+$0x0], $0xffff  }
0x16c: {  	v6 =	vor.u32 v1, v3;
	v5 =	vld.idx.msk [tilespmem:v2+s17+$0x0], $0xffff  }
0x16d: {  	s29 =	simm.s32 $0x2  }
0x16e: {  	v3 =	vmov s29;
	v7 =	vld.idx.msk [tilespmem:v2+s16+$0x0], $0xffff  }
0x16f: {  	v3 =	vand.u32 $0x3F, v3;
	v8 =	vld.idx.msk [tilespmem:v2+s18+$0x0], $0xffff  }
0x170: {  	v2 =	vbroadcast v3, $0x0  }
0x171: {  	s29 =	simm.s32 $0x3;
	v3 =	vld.idx.msk [tilespmem:v6+s15+$0x0], $0xffff;
	v5 =	vadd.f32 v5, v4  }
0x172: {  	v9 =	vor.u32 v1, v2;
	v2 =	vmov s29;
	v10 =	vld.idx.msk [tilespmem:v6+s17+$0x0], $0xffff  }
0x173: {  	v2 =	vand.u32 $0x3F, v2;
	v11 =	vsub.f32 v5, v7  }
0x174: {  	v12 =	vbroadcast v2, $0x0;
	v15 =	vmul.f32 v8, v7  }
0x175: {  	v14 =	vmul.f32 v8, v4;
	v5 =	vimm.f32 $0.0e+00;
	v7 =	vld.idx.msk [tilespmem:v6+s18+$0x0], $0xffff;
	v13 =	vadd.f32 $9.999999970e-07, v11  }
0x176: {  	v2 =	vld.idx.msk [tilespmem:v6+s16+$0x0], $0xffff;
	v6 =	vor.u32 v1, v12;
	v12 =	vimm.f32 $0.0e+00;
	v11 =	vmul.f32 v8, v8  }
0x177: {  	v4 =	vld.idx.msk [tilespmem:v9+s15+$0x0], $0xffff;
	v17 =	vadd.f32 v10, v3;
	v10 =	vadd.f32 v14, v5;
	v18 =	vmul.f32 v13, v8  }
0x178: {  	s29 =	simm.s32 $0x4;
	v14 =	vld.idx.msk [tilespmem:v9+s17+$0x0], $0xffff;
	v8 =	vadd.f32 v15, v5;
	v16 =	vmul.f32 v13, v13;
	v13 =	vimm.f32 $0.0e+00;
	v15 =	vmovc v9  }
.LBB2_19:
0x179: {  	_ = 	snop  }
0x17a: {  	v19 =	vmov v7  }
0x17b: {  	v17 =	vsub.f32 v17, v2;
	v5 =	vadd.f32 v18, v5;
	v18 =	vmovc v2;
	p0 =	sne.s32 s29, $0x3F;
	v7 =	vmov s29;
	v2 =	vld.idx.msk [tilespmem:v9+s16+$0x0], $0xffff;
	v9 =	vmovc v6  }
.Ltmp8:
0x17c: {  	v13 =	vadd.f32 v11, v13;
	s29 =	sadd.s32 $0x1, s29;
	v12 =	vadd.f32 v16, v12;
	v7 =	vand.u32 $0x3F, v7;
	(pc) =	sbr.rel @p0 .LBB2_19-.Ltmp8, $4  }
0x17d: {  	v20 =	vadd.f32 $9.999999970e-07, v17;
	v21 =	vmul.f32 v19, v3;
	v22 =	vmovc v19;
	v16 =	vbroadcast v7, $0x0;
	v7 =	vld.idx.msk [tilespmem:v15+s18+$0x0], $0xffff;
	v15 =	vmovc v6  }
0x17e: {  	v3 =	vmov v4;
	v23 =	vmul.f32 v22, v18;
	v11 =	vmul.f32 v19, v22;
	v4 =	vld.idx.msk [tilespmem:v6+s15+$0x0], $0xffff  }
0x17f: {  	v17 =	vadd.f32 v14, v3;
	v18 =	vmul.f32 v20, v22;
	v14 =	vld.idx.msk [tilespmem:v6+s17+$0x0], $0xffff;
	v6 =	vor.u32 v1, v16  }
0x180: {  	v10 =	vadd.f32 v21, v10;
	v8 =	vadd.f32 v23, v8;
	v16 =	vmul.f32 v20, v20  }
0x181: {  	_ =	sdelay $0x3  }
0x182: {  	v1 =	vld.idx.msk [tilespmem:v9+s16+$0x0], $0xffff  }
0x183: {  	v45 =	vld.idx.msk [tilespmem:v15+s18+$0x0], $0xffff  }
0x184: {  	v46 =	vld.idx.msk [tilespmem:v6+s15+$0x0], $0xffff  }
0x185: {  	v17 =	vsub.f32 v17, v2;
	v19 =	vld.idx.msk [tilespmem:v6+s17+$0x0], $0xffff  }
0x186: {  	v5 =	vadd.f32 v18, v5;
	v47 =	vld.idx.msk [tilespmem:v6+s16+$0x0], $0xffff  }
0x187: {  	v11 =	vadd.f32 v11, v13;
	v48 =	vld.idx.msk [tilespmem:v6+s18+$0x0], $0xffff;
	v3 =	vmul.f32 v7, v3;
	v17 =	vadd.f32 $9.999999970e-07, v17  }
0x188: {  	v12 =	vadd.f32 v16, v12;
	v2 =	vmul.f32 v7, v2;
	v14 =	vadd.f32 v14, v4  }
0x189: {  	v57 =	vmul.f32 v7, v7;
	v3 =	vadd.f32 v3, v10;
	v49 =	vmul.f32 v17, v7  }
0x18a: {  	v54 =	vmul.f32 v17, v17;
	v50 =	vsub.f32 v14, v1;
	v52 =	vadd.f32 v19, v46  }
0x18b: {  	v2 =	vadd.f32 v2, v8;
	v51 =	vmul.f32 v45, v4;
	v1 =	vmul.f32 v45, v1  }
0x18c: {  	v56 =	vmul.f32 v48, v47;
	v53 =	vadd.f32 $9.999999970e-07, v50;
	v55 =	vsub.f32 v52, v47  }
0x18d: {  	v3 =	vadd.f32 v51, v3;
	v1 =	vadd.f32 v1, v2;
	v2 =	vmul.f32 v48, v46  }
0x18e: {  	v59 =	vmul.f32 v45, v45;
	v5 =	vadd.f32 v49, v5;
	v4 =	vadd.f32 $9.999999970e-07, v55  }
0x18f: {  	v58 =	vmul.f32 v53, v45;
	v2 =	vadd.f32 v2, v3;
	v1 =	vadd.f32 v56, v1  }
0x190: {  	v12 =	vadd.f32 v54, v12;
	v3 =	vadd.f32 v57, v11;
	v60 =	vmul.f32 v53, v53  }
0x191: {  	v5 =	vadd.f32 v58, v5;
	v61 =	vmul.f32 v4, v48;
	v1 =	vsub.f32 v2, v1  }
0x192: {  	v2 =	vadd.f32 v60, v12;
	v3 =	vadd.f32 v59, v3;
	v4 =	vmul.f32 v4, v4  }
0x193: {  	v6 =	vmul.f32 v48, v48;
	v5 =	vadd.f32 v61, v5;
	v62 =	vadd.f32 v1, v1  }
0x194: {  	v2 =	vadd.f32 v4, v2  }
0x195: {  	s23 =	sadd.s32 $0x1, s23;
	v3 =	vadd.f32 v6, v3;
	v1 =	vmul.f32 v1, v1;
	v63 =	vmul.f32 v5, v62  }
0x196: {  	p0 =	sne.s32 s23, $0x8  }
.Ltmp9:
0x197: {  	v1 =	vmul.f32 v3, v1;
	v2 =	vsub.f32 v2, v63;
	(pc) =	sbr.rel @p0 .LBB2_18-.Ltmp9, $3  }
0x198: {  	_ = 	snop  }
0x199: {  	v1 =	vadd.f32 v1, v2;
	_ =	sdelay $0x1  }
0x19a: {  	[tilespmem:s26+$0x8E00] =	vst v1  }
0x19b: {  	s22 =	simm.s32 $0x280  }
0x19c: {  	[tilespmem:s15], [sflag:$0x1] =	stream.indirect.gather [hbm4b:s3+s14], $0x40, s22, s14, $0xb8;
	[tilespmem:$0x9000] =	vst v63  }
0x19d: {  	s29 =	simm.s32 $0xA80  }
0x19e: {  	[tilespmem:s16], [sflag:$0x1] =	stream.indirect.gather [hbm4b:s3+s14], $0x40, s29, s14, $0xb8;
	[tilespmem:$0x9000] =	vst v63  }
0x19f: {  	_ = 	snop  }
0x1a0: {  	[tilespmem:s17], [sflag:$0x1] =	stream.indirect.gather [hbm4b:s4+s14], $0x40, s20, s14, $0xb8;
	[tilespmem:$0x9000] =	vst v63  }
0x1a1: {  	_ = 	snop  }
0x1a2: {  	[tilespmem:s18], [sflag:$0x1] =	stream.indirect.gather [hbm4b:s5+s14], $0x40, s20, s14, $0xb8;
	[tilespmem:$0x9000] =	vst v63  }
0x1a3: {  	_ =	swait.ge [sflag:s19], $0x2000  }
0x1a4: {  	[sflag:s19] =	ssyncset.done $0x0  }
0x1a5: {  	[sflag:s19] =	ssyncadd.s32 $0xFFFFE000  }
0x1a6: {  	_ =	swait.ge [sflag:s19], $0x2000  }
0x1a7: {  	[sflag:s19] =	ssyncset.done $0x0  }
0x1a8: {  	[sflag:s19] =	ssyncadd.s32 $0xFFFFE000  }
0x1a9: {  	_ =	swait.ge [sflag:s19], $0x2000  }
0x1aa: {  	[sflag:s19] =	ssyncset.done $0x0  }
0x1ab: {  	[sflag:s19] =	ssyncadd.s32 $0xFFFFE000  }
0x1ac: {  	_ =	swait.ge [sflag:s19], $0x2000  }
0x1ad: {  	[sflag:s19] =	ssyncset.done $0x0  }
0x1ae: {  	s23 =	simm.s32 $0x0;
	s22 =	simm.s32 $0x0;
	[sflag:s19] =	ssyncadd.s32 $0xFFFFE000  }
.LBB2_22:
0x1af: {  	s26 =	sshll.u32 s23, $0x4;
	v1 =	vmov s22  }
0x1b0: {  	v2 =	vmov s26;
	v1 =	vand.u32 $0x3F, v1  }
0x1b1: {  	v2 =	vshll.u32 v2, $0x6;
	v3 =	vbroadcast v1, $0x0  }
0x1b2: {  	v1 =	vor.u32 v0, v2  }
0x1b3: {  	v2 =	vor.u32 v1, v3  }
0x1b4: {  	s29 =	simm.s32 $0x1  }
0x1b5: {  	v3 =	vmov s29  }
0x1b6: {  	v3 =	vand.u32 $0x3F, v3  }
0x1b7: {  	v3 =	vbroadcast v3, $0x0  }
0x1b8: {  	v4 =	vld.idx.msk [tilespmem:v2+s15+$0x0], $0xffff  }
0x1b9: {  	v6 =	vor.u32 v1, v3;
	v5 =	vld.idx.msk [tilespmem:v2+s17+$0x0], $0xffff  }
0x1ba: {  	s29 =	simm.s32 $0x2  }
0x1bb: {  	v3 =	vmov s29;
	v7 =	vld.idx.msk [tilespmem:v2+s16+$0x0], $0xffff  }
0x1bc: {  	v3 =	vand.u32 $0x3F, v3;
	v8 =	vld.idx.msk [tilespmem:v2+s18+$0x0], $0xffff  }
0x1bd: {  	v2 =	vbroadcast v3, $0x0  }
0x1be: {  	s29 =	simm.s32 $0x3;
	v3 =	vld.idx.msk [tilespmem:v6+s15+$0x0], $0xffff;
	v5 =	vadd.f32 v5, v4  }
0x1bf: {  	v9 =	vor.u32 v1, v2;
	v2 =	vmov s29;
	v10 =	vld.idx.msk [tilespmem:v6+s17+$0x0], $0xffff  }
0x1c0: {  	v2 =	vand.u32 $0x3F, v2;
	v11 =	vsub.f32 v5, v7  }
0x1c1: {  	v12 =	vbroadcast v2, $0x0;
	v15 =	vmul.f32 v8, v7  }
0x1c2: {  	v14 =	vmul.f32 v8, v4;
	v5 =	vimm.f32 $0.0e+00;
	v7 =	vld.idx.msk [tilespmem:v6+s18+$0x0], $0xffff;
	v13 =	vadd.f32 $9.999999970e-07, v11  }
0x1c3: {  	v2 =	vld.idx.msk [tilespmem:v6+s16+$0x0], $0xffff;
	v6 =	vor.u32 v1, v12;
	v12 =	vimm.f32 $0.0e+00;
	v11 =	vmul.f32 v8, v8  }
0x1c4: {  	v4 =	vld.idx.msk [tilespmem:v9+s15+$0x0], $0xffff;
	v17 =	vadd.f32 v10, v3;
	v10 =	vadd.f32 v14, v5;
	v18 =	vmul.f32 v13, v8  }
0x1c5: {  	s29 =	simm.s32 $0x4;
	v14 =	vld.idx.msk [tilespmem:v9+s17+$0x0], $0xffff;
	v8 =	vadd.f32 v15, v5;
	v16 =	vmul.f32 v13, v13;
	v13 =	vimm.f32 $0.0e+00;
	v15 =	vmovc v9  }
.LBB2_23:
0x1c6: {  	_ = 	snop  }
0x1c7: {  	v19 =	vmov v7  }
0x1c8: {  	v17 =	vsub.f32 v17, v2;
	v5 =	vadd.f32 v18, v5;
	v18 =	vmovc v2;
	p0 =	sne.s32 s29, $0x3F;
	v7 =	vmov s29;
	v2 =	vld.idx.msk [tilespmem:v9+s16+$0x0], $0xffff;
	v9 =	vmovc v6  }
.Ltmp10:
0x1c9: {  	v13 =	vadd.f32 v11, v13;
	s29 =	sadd.s32 $0x1, s29;
	v12 =	vadd.f32 v16, v12;
	v7 =	vand.u32 $0x3F, v7;
	(pc) =	sbr.rel @p0 .LBB2_23-.Ltmp10, $4  }
0x1ca: {  	v20 =	vadd.f32 $9.999999970e-07, v17;
	v21 =	vmul.f32 v19, v3;
	v22 =	vmovc v19;
	v16 =	vbroadcast v7, $0x0;
	v7 =	vld.idx.msk [tilespmem:v15+s18+$0x0], $0xffff;
	v15 =	vmovc v6  }
0x1cb: {  	v3 =	vmov v4;
	v23 =	vmul.f32 v22, v18;
	v11 =	vmul.f32 v19, v22;
	v4 =	vld.idx.msk [tilespmem:v6+s15+$0x0], $0xffff  }
0x1cc: {  	v17 =	vadd.f32 v14, v3;
	v18 =	vmul.f32 v20, v22;
	v14 =	vld.idx.msk [tilespmem:v6+s17+$0x0], $0xffff;
	v6 =	vor.u32 v1, v16  }
0x1cd: {  	v10 =	vadd.f32 v21, v10;
	v8 =	vadd.f32 v23, v8;
	v16 =	vmul.f32 v20, v20  }
0x1ce: {  	_ =	sdelay $0x3  }
0x1cf: {  	v1 =	vld.idx.msk [tilespmem:v9+s16+$0x0], $0xffff  }
0x1d0: {  	v45 =	vld.idx.msk [tilespmem:v15+s18+$0x0], $0xffff  }
0x1d1: {  	v46 =	vld.idx.msk [tilespmem:v6+s15+$0x0], $0xffff  }
0x1d2: {  	v17 =	vsub.f32 v17, v2;
	v19 =	vld.idx.msk [tilespmem:v6+s17+$0x0], $0xffff  }
0x1d3: {  	v5 =	vadd.f32 v18, v5;
	v47 =	vld.idx.msk [tilespmem:v6+s16+$0x0], $0xffff  }
0x1d4: {  	v11 =	vadd.f32 v11, v13;
	v48 =	vld.idx.msk [tilespmem:v6+s18+$0x0], $0xffff;
	v3 =	vmul.f32 v7, v3;
	v17 =	vadd.f32 $9.999999970e-07, v17  }
0x1d5: {  	v12 =	vadd.f32 v16, v12;
	v2 =	vmul.f32 v7, v2;
	v14 =	vadd.f32 v14, v4  }
0x1d6: {  	v57 =	vmul.f32 v7, v7;
	v3 =	vadd.f32 v3, v10;
	v49 =	vmul.f32 v17, v7  }
0x1d7: {  	v54 =	vmul.f32 v17, v17;
	v50 =	vsub.f32 v14, v1;
	v52 =	vadd.f32 v19, v46  }
0x1d8: {  	v2 =	vadd.f32 v2, v8;
	v51 =	vmul.f32 v45, v4;
	v1 =	vmul.f32 v45, v1  }
0x1d9: {  	v56 =	vmul.f32 v48, v47;
	v53 =	vadd.f32 $9.999999970e-07, v50;
	v55 =	vsub.f32 v52, v47  }
0x1da: {  	v3 =	vadd.f32 v51, v3;
	v1 =	vadd.f32 v1, v2;
	v2 =	vmul.f32 v48, v46  }
0x1db: {  	v59 =	vmul.f32 v45, v45;
	v5 =	vadd.f32 v49, v5;
	v4 =	vadd.f32 $9.999999970e-07, v55  }
0x1dc: {  	v58 =	vmul.f32 v53, v45;
	v2 =	vadd.f32 v2, v3;
	v1 =	vadd.f32 v56, v1  }
0x1dd: {  	v12 =	vadd.f32 v54, v12;
	v3 =	vadd.f32 v57, v11;
	v60 =	vmul.f32 v53, v53  }
0x1de: {  	v5 =	vadd.f32 v58, v5;
	v61 =	vmul.f32 v4, v48;
	v1 =	vsub.f32 v2, v1  }
0x1df: {  	v2 =	vadd.f32 v60, v12;
	v3 =	vadd.f32 v59, v3;
	v4 =	vmul.f32 v4, v4  }
0x1e0: {  	v6 =	vmul.f32 v48, v48;
	v5 =	vadd.f32 v61, v5;
	v62 =	vadd.f32 v1, v1  }
0x1e1: {  	v2 =	vadd.f32 v4, v2  }
0x1e2: {  	s23 =	sadd.s32 $0x1, s23;
	v3 =	vadd.f32 v6, v3;
	v1 =	vmul.f32 v1, v1;
	v63 =	vmul.f32 v5, v62  }
0x1e3: {  	p0 =	sne.s32 s23, $0x8  }
.Ltmp11:
0x1e4: {  	v1 =	vmul.f32 v3, v1;
	v2 =	vsub.f32 v2, v63;
	(pc) =	sbr.rel @p0 .LBB2_22-.Ltmp11, $3  }
0x1e5: {  	_ = 	snop  }
0x1e6: {  	v1 =	vadd.f32 v1, v2;
	_ =	sdelay $0x1  }
0x1e7: {  	[tilespmem:s26+$0x8E80] =	vst v1  }
0x1e8: {  	s22 =	simm.s32 $0x300  }
0x1e9: {  	[tilespmem:s15], [sflag:$0x1] =	stream.indirect.gather [hbm4b:s3+s14], $0x40, s22, s14, $0xb8;
	[tilespmem:$0x9000] =	vst v63  }
0x1ea: {  	s29 =	simm.s32 $0xB00  }
0x1eb: {  	[tilespmem:s16], [sflag:$0x1] =	stream.indirect.gather [hbm4b:s3+s14], $0x40, s29, s14, $0xb8;
	[tilespmem:$0x9000] =	vst v63  }
0x1ec: {  	_ = 	snop  }
0x1ed: {  	[tilespmem:s17], [sflag:$0x1] =	stream.indirect.gather [hbm4b:s4+s14], $0x40, s25, s14, $0xb8;
	[tilespmem:$0x9000] =	vst v63  }
0x1ee: {  	_ = 	snop  }
0x1ef: {  	[tilespmem:s18], [sflag:$0x1] =	stream.indirect.gather [hbm4b:s5+s14], $0x40, s25, s14, $0xb8;
	[tilespmem:$0x9000] =	vst v63  }
0x1f0: {  	_ =	swait.ge [sflag:s19], $0x2000  }
0x1f1: {  	[sflag:s19] =	ssyncset.done $0x0  }
0x1f2: {  	[sflag:s19] =	ssyncadd.s32 $0xFFFFE000  }
0x1f3: {  	_ =	swait.ge [sflag:s19], $0x2000  }
0x1f4: {  	[sflag:s19] =	ssyncset.done $0x0  }
0x1f5: {  	[sflag:s19] =	ssyncadd.s32 $0xFFFFE000  }
0x1f6: {  	_ =	swait.ge [sflag:s19], $0x2000  }
0x1f7: {  	[sflag:s19] =	ssyncset.done $0x0  }
0x1f8: {  	[sflag:s19] =	ssyncadd.s32 $0xFFFFE000  }
0x1f9: {  	_ =	swait.ge [sflag:s19], $0x2000  }
0x1fa: {  	[sflag:s19] =	ssyncset.done $0x0  }
0x1fb: {  	s23 =	simm.s32 $0x0;
	s22 =	simm.s32 $0x0;
	[sflag:s19] =	ssyncadd.s32 $0xFFFFE000  }
.LBB2_26:
0x1fc: {  	s26 =	sshll.u32 s23, $0x4;
	v1 =	vmov s22  }
0x1fd: {  	v2 =	vmov s26;
	v1 =	vand.u32 $0x3F, v1  }
0x1fe: {  	v2 =	vshll.u32 v2, $0x6;
	v3 =	vbroadcast v1, $0x0  }
0x1ff: {  	v1 =	vor.u32 v0, v2  }
0x200: {  	v2 =	vor.u32 v1, v3  }
0x201: {  	s29 =	simm.s32 $0x1  }
0x202: {  	v3 =	vmov s29  }
0x203: {  	v3 =	vand.u32 $0x3F, v3  }
0x204: {  	v3 =	vbroadcast v3, $0x0  }
0x205: {  	v4 =	vld.idx.msk [tilespmem:v2+s15+$0x0], $0xffff  }
0x206: {  	v6 =	vor.u32 v1, v3;
	v5 =	vld.idx.msk [tilespmem:v2+s17+$0x0], $0xffff  }
0x207: {  	s29 =	simm.s32 $0x2  }
0x208: {  	v3 =	vmov s29;
	v7 =	vld.idx.msk [tilespmem:v2+s16+$0x0], $0xffff  }
0x209: {  	v3 =	vand.u32 $0x3F, v3;
	v8 =	vld.idx.msk [tilespmem:v2+s18+$0x0], $0xffff  }
0x20a: {  	v2 =	vbroadcast v3, $0x0  }
0x20b: {  	s29 =	simm.s32 $0x3;
	v3 =	vld.idx.msk [tilespmem:v6+s15+$0x0], $0xffff;
	v5 =	vadd.f32 v5, v4  }
0x20c: {  	v9 =	vor.u32 v1, v2;
	v2 =	vmov s29;
	v10 =	vld.idx.msk [tilespmem:v6+s17+$0x0], $0xffff  }
0x20d: {  	v2 =	vand.u32 $0x3F, v2;
	v11 =	vsub.f32 v5, v7  }
0x20e: {  	v12 =	vbroadcast v2, $0x0;
	v15 =	vmul.f32 v8, v7  }
0x20f: {  	v14 =	vmul.f32 v8, v4;
	v5 =	vimm.f32 $0.0e+00;
	v7 =	vld.idx.msk [tilespmem:v6+s18+$0x0], $0xffff;
	v13 =	vadd.f32 $9.999999970e-07, v11  }
0x210: {  	v2 =	vld.idx.msk [tilespmem:v6+s16+$0x0], $0xffff;
	v6 =	vor.u32 v1, v12;
	v12 =	vimm.f32 $0.0e+00;
	v11 =	vmul.f32 v8, v8  }
0x211: {  	v4 =	vld.idx.msk [tilespmem:v9+s15+$0x0], $0xffff;
	v17 =	vadd.f32 v10, v3;
	v10 =	vadd.f32 v14, v5;
	v18 =	vmul.f32 v13, v8  }
0x212: {  	s29 =	simm.s32 $0x4;
	v14 =	vld.idx.msk [tilespmem:v9+s17+$0x0], $0xffff;
	v8 =	vadd.f32 v15, v5;
	v16 =	vmul.f32 v13, v13;
	v13 =	vimm.f32 $0.0e+00;
	v15 =	vmovc v9  }
.LBB2_27:
0x213: {  	_ = 	snop  }
0x214: {  	v19 =	vmov v7  }
0x215: {  	v17 =	vsub.f32 v17, v2;
	v5 =	vadd.f32 v18, v5;
	v18 =	vmovc v2;
	p0 =	sne.s32 s29, $0x3F;
	v7 =	vmov s29;
	v2 =	vld.idx.msk [tilespmem:v9+s16+$0x0], $0xffff;
	v9 =	vmovc v6  }
.Ltmp12:
0x216: {  	v13 =	vadd.f32 v11, v13;
	s29 =	sadd.s32 $0x1, s29;
	v12 =	vadd.f32 v16, v12;
	v7 =	vand.u32 $0x3F, v7;
	(pc) =	sbr.rel @p0 .LBB2_27-.Ltmp12, $4  }
0x217: {  	v20 =	vadd.f32 $9.999999970e-07, v17;
	v21 =	vmul.f32 v19, v3;
	v22 =	vmovc v19;
	v16 =	vbroadcast v7, $0x0;
	v7 =	vld.idx.msk [tilespmem:v15+s18+$0x0], $0xffff;
	v15 =	vmovc v6  }
0x218: {  	v3 =	vmov v4;
	v23 =	vmul.f32 v22, v18;
	v11 =	vmul.f32 v19, v22;
	v4 =	vld.idx.msk [tilespmem:v6+s15+$0x0], $0xffff  }
0x219: {  	v17 =	vadd.f32 v14, v3;
	v18 =	vmul.f32 v20, v22;
	v14 =	vld.idx.msk [tilespmem:v6+s17+$0x0], $0xffff;
	v6 =	vor.u32 v1, v16  }
0x21a: {  	v10 =	vadd.f32 v21, v10;
	v8 =	vadd.f32 v23, v8;
	v16 =	vmul.f32 v20, v20  }
0x21b: {  	_ =	sdelay $0x3  }
0x21c: {  	v1 =	vld.idx.msk [tilespmem:v9+s16+$0x0], $0xffff  }
0x21d: {  	v45 =	vld.idx.msk [tilespmem:v15+s18+$0x0], $0xffff  }
0x21e: {  	v46 =	vld.idx.msk [tilespmem:v6+s15+$0x0], $0xffff  }
0x21f: {  	v17 =	vsub.f32 v17, v2;
	v19 =	vld.idx.msk [tilespmem:v6+s17+$0x0], $0xffff  }
0x220: {  	v5 =	vadd.f32 v18, v5;
	v47 =	vld.idx.msk [tilespmem:v6+s16+$0x0], $0xffff  }
0x221: {  	v11 =	vadd.f32 v11, v13;
	v48 =	vld.idx.msk [tilespmem:v6+s18+$0x0], $0xffff;
	v3 =	vmul.f32 v7, v3;
	v17 =	vadd.f32 $9.999999970e-07, v17  }
0x222: {  	v12 =	vadd.f32 v16, v12;
	v2 =	vmul.f32 v7, v2;
	v14 =	vadd.f32 v14, v4  }
0x223: {  	v57 =	vmul.f32 v7, v7;
	v3 =	vadd.f32 v3, v10;
	v49 =	vmul.f32 v17, v7  }
0x224: {  	v54 =	vmul.f32 v17, v17;
	v50 =	vsub.f32 v14, v1;
	v52 =	vadd.f32 v19, v46  }
0x225: {  	v2 =	vadd.f32 v2, v8;
	v51 =	vmul.f32 v45, v4;
	v1 =	vmul.f32 v45, v1  }
0x226: {  	v56 =	vmul.f32 v48, v47;
	v53 =	vadd.f32 $9.999999970e-07, v50;
	v55 =	vsub.f32 v52, v47  }
0x227: {  	v3 =	vadd.f32 v51, v3;
	v1 =	vadd.f32 v1, v2;
	v2 =	vmul.f32 v48, v46  }
0x228: {  	v59 =	vmul.f32 v45, v45;
	v5 =	vadd.f32 v49, v5;
	v4 =	vadd.f32 $9.999999970e-07, v55  }
0x229: {  	v58 =	vmul.f32 v53, v45;
	v2 =	vadd.f32 v2, v3;
	v1 =	vadd.f32 v56, v1  }
0x22a: {  	v12 =	vadd.f32 v54, v12;
	v3 =	vadd.f32 v57, v11;
	v60 =	vmul.f32 v53, v53  }
0x22b: {  	v5 =	vadd.f32 v58, v5;
	v61 =	vmul.f32 v4, v48;
	v1 =	vsub.f32 v2, v1  }
0x22c: {  	v2 =	vadd.f32 v60, v12;
	v3 =	vadd.f32 v59, v3;
	v4 =	vmul.f32 v4, v4  }
0x22d: {  	v6 =	vmul.f32 v48, v48;
	v5 =	vadd.f32 v61, v5;
	v62 =	vadd.f32 v1, v1  }
0x22e: {  	v2 =	vadd.f32 v4, v2  }
0x22f: {  	s23 =	sadd.s32 $0x1, s23;
	v3 =	vadd.f32 v6, v3;
	v1 =	vmul.f32 v1, v1;
	v63 =	vmul.f32 v5, v62  }
0x230: {  	p0 =	sne.s32 s23, $0x8  }
.Ltmp13:
0x231: {  	v1 =	vmul.f32 v3, v1;
	v2 =	vsub.f32 v2, v63;
	(pc) =	sbr.rel @p0 .LBB2_26-.Ltmp13, $3  }
0x232: {  	_ = 	snop  }
0x233: {  	v1 =	vadd.f32 v1, v2;
	_ =	sdelay $0x1  }
0x234: {  	[tilespmem:s26+$0x8F00] =	vst v1  }
0x235: {  	s22 =	simm.s32 $0x380  }
0x236: {  	[tilespmem:s15], [sflag:$0x1] =	stream.indirect.gather [hbm4b:s3+s14], $0x40, s22, s14, $0xb8;
	[tilespmem:$0x9000] =	vst v63  }
0x237: {  	s29 =	simm.s32 $0xB80  }
0x238: {  	[tilespmem:s16], [sflag:$0x1] =	stream.indirect.gather [hbm4b:s3+s14], $0x40, s29, s14, $0xb8;
	[tilespmem:$0x9000] =	vst v63  }
0x239: {  	_ = 	snop  }
0x23a: {  	[tilespmem:s17], [sflag:$0x1] =	stream.indirect.gather [hbm4b:s4+s14], $0x40, s30, s14, $0xb8;
	[tilespmem:$0x9000] =	vst v63  }
0x23b: {  	_ = 	snop  }
0x23c: {  	[tilespmem:s18], [sflag:$0x1] =	stream.indirect.gather [hbm4b:s5+s14], $0x40, s30, s14, $0xb8;
	[tilespmem:$0x9000] =	vst v63  }
0x23d: {  	_ =	swait.ge [sflag:s19], $0x2000  }
0x23e: {  	[sflag:s19] =	ssyncset.done $0x0  }
0x23f: {  	[sflag:s19] =	ssyncadd.s32 $0xFFFFE000  }
0x240: {  	_ =	swait.ge [sflag:s19], $0x2000  }
0x241: {  	[sflag:s19] =	ssyncset.done $0x0  }
0x242: {  	[sflag:s19] =	ssyncadd.s32 $0xFFFFE000  }
0x243: {  	_ =	swait.ge [sflag:s19], $0x2000  }
0x244: {  	[sflag:s19] =	ssyncset.done $0x0  }
0x245: {  	[sflag:s19] =	ssyncadd.s32 $0xFFFFE000  }
0x246: {  	_ =	swait.ge [sflag:s19], $0x2000  }
0x247: {  	[sflag:s19] =	ssyncset.done $0x0  }
0x248: {  	s23 =	simm.s32 $0x0;
	s22 =	simm.s32 $0x0;
	[sflag:s19] =	ssyncadd.s32 $0xFFFFE000  }
.LBB2_30:
0x249: {  	s26 =	sshll.u32 s23, $0x4;
	v1 =	vmov s22  }
0x24a: {  	v2 =	vmov s26;
	v1 =	vand.u32 $0x3F, v1  }
0x24b: {  	v2 =	vshll.u32 v2, $0x6;
	v3 =	vbroadcast v1, $0x0  }
0x24c: {  	v1 =	vor.u32 v0, v2  }
0x24d: {  	v2 =	vor.u32 v1, v3  }
0x24e: {  	s29 =	simm.s32 $0x1  }
0x24f: {  	v3 =	vmov s29  }
0x250: {  	v3 =	vand.u32 $0x3F, v3  }
0x251: {  	v3 =	vbroadcast v3, $0x0  }
0x252: {  	v4 =	vld.idx.msk [tilespmem:v2+s15+$0x0], $0xffff  }
0x253: {  	v6 =	vor.u32 v1, v3;
	v5 =	vld.idx.msk [tilespmem:v2+s17+$0x0], $0xffff  }
0x254: {  	s29 =	simm.s32 $0x2  }
0x255: {  	v3 =	vmov s29;
	v7 =	vld.idx.msk [tilespmem:v2+s16+$0x0], $0xffff  }
0x256: {  	v3 =	vand.u32 $0x3F, v3;
	v8 =	vld.idx.msk [tilespmem:v2+s18+$0x0], $0xffff  }
0x257: {  	v2 =	vbroadcast v3, $0x0  }
0x258: {  	s29 =	simm.s32 $0x3;
	v3 =	vld.idx.msk [tilespmem:v6+s15+$0x0], $0xffff;
	v5 =	vadd.f32 v5, v4  }
0x259: {  	v9 =	vor.u32 v1, v2;
	v2 =	vmov s29;
	v10 =	vld.idx.msk [tilespmem:v6+s17+$0x0], $0xffff  }
0x25a: {  	v2 =	vand.u32 $0x3F, v2;
	v11 =	vsub.f32 v5, v7  }
0x25b: {  	v12 =	vbroadcast v2, $0x0;
	v15 =	vmul.f32 v8, v7  }
0x25c: {  	v14 =	vmul.f32 v8, v4;
	v5 =	vimm.f32 $0.0e+00;
	v7 =	vld.idx.msk [tilespmem:v6+s18+$0x0], $0xffff;
	v13 =	vadd.f32 $9.999999970e-07, v11  }
0x25d: {  	v2 =	vld.idx.msk [tilespmem:v6+s16+$0x0], $0xffff;
	v6 =	vor.u32 v1, v12;
	v12 =	vimm.f32 $0.0e+00;
	v11 =	vmul.f32 v8, v8  }
0x25e: {  	v4 =	vld.idx.msk [tilespmem:v9+s15+$0x0], $0xffff;
	v17 =	vadd.f32 v10, v3;
	v10 =	vadd.f32 v14, v5;
	v18 =	vmul.f32 v13, v8  }
0x25f: {  	s29 =	simm.s32 $0x4;
	v14 =	vld.idx.msk [tilespmem:v9+s17+$0x0], $0xffff;
	v8 =	vadd.f32 v15, v5;
	v16 =	vmul.f32 v13, v13;
	v13 =	vimm.f32 $0.0e+00;
	v15 =	vmovc v9  }
.LBB2_31:
0x260: {  	_ = 	snop  }
0x261: {  	v19 =	vmov v7  }
0x262: {  	v17 =	vsub.f32 v17, v2;
	v5 =	vadd.f32 v18, v5;
	v18 =	vmovc v2;
	p0 =	sne.s32 s29, $0x3F;
	v7 =	vmov s29;
	v2 =	vld.idx.msk [tilespmem:v9+s16+$0x0], $0xffff;
	v9 =	vmovc v6  }
.Ltmp14:
0x263: {  	v13 =	vadd.f32 v11, v13;
	s29 =	sadd.s32 $0x1, s29;
	v12 =	vadd.f32 v16, v12;
	v7 =	vand.u32 $0x3F, v7;
	(pc) =	sbr.rel @p0 .LBB2_31-.Ltmp14, $4  }
0x264: {  	v20 =	vadd.f32 $9.999999970e-07, v17;
	v21 =	vmul.f32 v19, v3;
	v22 =	vmovc v19;
	v16 =	vbroadcast v7, $0x0;
	v7 =	vld.idx.msk [tilespmem:v15+s18+$0x0], $0xffff;
	v15 =	vmovc v6  }
0x265: {  	v3 =	vmov v4;
	v23 =	vmul.f32 v22, v18;
	v11 =	vmul.f32 v19, v22;
	v4 =	vld.idx.msk [tilespmem:v6+s15+$0x0], $0xffff  }
0x266: {  	v17 =	vadd.f32 v14, v3;
	v18 =	vmul.f32 v20, v22;
	v14 =	vld.idx.msk [tilespmem:v6+s17+$0x0], $0xffff;
	v6 =	vor.u32 v1, v16  }
0x267: {  	v10 =	vadd.f32 v21, v10;
	v8 =	vadd.f32 v23, v8;
	v16 =	vmul.f32 v20, v20  }
0x268: {  	_ =	sdelay $0x3  }
0x269: {  	v1 =	vld.idx.msk [tilespmem:v9+s16+$0x0], $0xffff  }
0x26a: {  	v45 =	vld.idx.msk [tilespmem:v15+s18+$0x0], $0xffff  }
0x26b: {  	v46 =	vld.idx.msk [tilespmem:v6+s15+$0x0], $0xffff  }
0x26c: {  	v17 =	vsub.f32 v17, v2;
	v19 =	vld.idx.msk [tilespmem:v6+s17+$0x0], $0xffff  }
0x26d: {  	v5 =	vadd.f32 v18, v5;
	v47 =	vld.idx.msk [tilespmem:v6+s16+$0x0], $0xffff  }
0x26e: {  	v11 =	vadd.f32 v11, v13;
	v48 =	vld.idx.msk [tilespmem:v6+s18+$0x0], $0xffff;
	v3 =	vmul.f32 v7, v3;
	v17 =	vadd.f32 $9.999999970e-07, v17  }
0x26f: {  	v12 =	vadd.f32 v16, v12;
	v2 =	vmul.f32 v7, v2;
	v14 =	vadd.f32 v14, v4  }
0x270: {  	v57 =	vmul.f32 v7, v7;
	v3 =	vadd.f32 v3, v10;
	v49 =	vmul.f32 v17, v7  }
0x271: {  	v54 =	vmul.f32 v17, v17;
	v50 =	vsub.f32 v14, v1;
	v52 =	vadd.f32 v19, v46  }
0x272: {  	v2 =	vadd.f32 v2, v8;
	v51 =	vmul.f32 v45, v4;
	v1 =	vmul.f32 v45, v1  }
0x273: {  	v56 =	vmul.f32 v48, v47;
	v53 =	vadd.f32 $9.999999970e-07, v50;
	v55 =	vsub.f32 v52, v47  }
0x274: {  	v3 =	vadd.f32 v51, v3;
	v1 =	vadd.f32 v1, v2;
	v2 =	vmul.f32 v48, v46  }
0x275: {  	v59 =	vmul.f32 v45, v45;
	v5 =	vadd.f32 v49, v5;
	v4 =	vadd.f32 $9.999999970e-07, v55  }
0x276: {  	v58 =	vmul.f32 v53, v45;
	v2 =	vadd.f32 v2, v3;
	v1 =	vadd.f32 v56, v1  }
0x277: {  	v12 =	vadd.f32 v54, v12;
	v3 =	vadd.f32 v57, v11;
	v60 =	vmul.f32 v53, v53  }
0x278: {  	v5 =	vadd.f32 v58, v5;
	v61 =	vmul.f32 v4, v48;
	v1 =	vsub.f32 v2, v1  }
0x279: {  	v2 =	vadd.f32 v60, v12;
	v3 =	vadd.f32 v59, v3;
	v4 =	vmul.f32 v4, v4  }
0x27a: {  	v6 =	vmul.f32 v48, v48;
	v5 =	vadd.f32 v61, v5;
	v62 =	vadd.f32 v1, v1  }
0x27b: {  	v2 =	vadd.f32 v4, v2  }
0x27c: {  	s23 =	sadd.s32 $0x1, s23;
	v3 =	vadd.f32 v6, v3;
	v1 =	vmul.f32 v1, v1;
	v63 =	vmul.f32 v5, v62  }
0x27d: {  	p0 =	sne.s32 s23, $0x8  }
.Ltmp15:
0x27e: {  	v1 =	vmul.f32 v3, v1;
	v2 =	vsub.f32 v2, v63;
	(pc) =	sbr.rel @p0 .LBB2_30-.Ltmp15, $3  }
0x27f: {  	_ = 	snop  }
0x280: {  	v1 =	vadd.f32 v1, v2;
	_ =	sdelay $0x1  }
0x281: {  	[tilespmem:s26+$0x8F80] =	vst v1  }
0x282: {  	s2 =	sadd.s32 $0x1, s2  }
0x283: {  	p0 =	sne.s32 s2, s10  }
.Ltmp16:
0x284: {  	_ = 	snop;
	(pc) =	sbr.rel @p0 .LBB2_1-.Ltmp16, $4  }
0x285: {  	[hbm4b:s9+s1] =	stream.linear.scatter [tilespmem:s0], [sflag:$0x2], $0x400, $0x38;
	[tilespmem:$0x9000] =	vst v63  }
0x286: {  	_ =	swait.ge [sflag:s11], $0x400  }
0x287: {  	[sflag:s11] =	ssyncset.done $0x0  }
0x288: {  	[sflag:s11] =	ssyncadd.s32 $0xFFFFFC00  }
0x289: {  	_ =	sfence.sel $0x180000  }
0x28a: {  	[bflag:$0x0] =	sbarrier.arrive $0xFFFF  }
0x28b: {  	_ =	strace $0x90000047  }
0x28c: {  	s0 =	stileid.u32;
	[bflag:$0x2] =	sbarrier.arrive $0xFFFF  }
0x28d: {  	p0 =	sne.s32 s0, $0x0;
	s0 =	rddreg [dreg:$0x1]  }
0x28e: {  	s0 =	sadd.s32 @!p0 $0x100000, s0  }
0x28f: {  	[sflag:s0] =	ssyncadd.tile.s32 @!p0 $0x1;
	_ =	shalt  }
.Lfunc_end2:
_tile_overlayer_lowered:
.L_overlay_start_2:
0x290: {  	(tag) =	ssettag $0x2  }
0x291: {  	s0 =	rddreg [dreg:$0x0];
	s2 =	stileid.u32  }
0x292: {  	s1 =	rddreg [dreg:$0x1];
	p0 =	sne.s32 s2, $0x0  }
0x293: {  	s3 =	rddreg [dreg:$0x2];
	[bflag:$0x3] =	sbarrier.arrive $0xFFFF;
	s2 =	simm.s32 @!p0 $0x1C02  }
0x294: {  	[timem:s3], [sflag:s2] =	dma.local @!p0 [hbm:s0], s1  }
0x295: {  	s0 =	simm.s32 @!p0 $0x2  }
0x296: {  	_ =	swait.ge @!p0 [sflag:s0], s1  }
0x297: {  	s1 =	ssub.s32 @!p0 $0x0, s1;
	[sflag:s0] =	ssyncset.done @!p0 $0x0  }
0x298: {  	[sflag:s0] =	ssyncadd.s32 @!p0 s1  }
0x299: {  	[bflag:$0x3] =	sbarrier.arrive $0xFFFF  }
0x29a: {  	_ =	shalt  }

</sc_bundles>
